<compile_context>
chip_gen: v7x
topology: tpu7x:2x2x1
jax: 0.10.2.dev20260603
libtpu: 0.0.44.dev20260713+nightly
codegen_flags: <defaults>
</compile_context>

<pallas_src>
import functools

import jax
import jax.numpy as jnp
from jax import lax
from jax.experimental import pallas as pl
from jax.experimental.pallas import tpu as pltpu
from jax.experimental.pallas import tpu_sc as plsc

N = 10000
D = 128
DH = D // 2
NC = 2
NS = 16
CHUNK = 80
DEGW = 8


@functools.cache
def _sc_segsum_prog(n_chunks, with_deg):
    n_zchunks = N // CHUNK
    half = N // 2
    mesh = plsc.VectorSubcoreMesh(
        core_axis_name="c", subcore_axis_name="s",
        num_cores=NC, num_subcores=NS)

    out_type = [jax.ShapeDtypeStruct((NC, N, DH), jnp.float32)]
    if with_deg:
        out_type.append(jax.ShapeDtypeStruct((NC, N, DEGW), jnp.float32))

    scratch = [
        pltpu.VMEM((n_chunks, CHUNK), jnp.int32),
        pltpu.VMEM((n_chunks, CHUNK), jnp.int32),
        pltpu.VMEM((n_chunks, CHUNK), jnp.int32),
        pltpu.VMEM((4, CHUNK, DH), jnp.float32),
        pltpu.VMEM((CHUNK, DEGW), jnp.float32),
        pltpu.VMEM_SHARED((N, DH), jnp.float32),
        pltpu.VMEM_SHARED((N, DEGW), jnp.float32),
        pltpu.SemaphoreType.DMA((4,)),
        pltpu.SemaphoreType.DMA((4,)),
        pltpu.SemaphoreType.DMA,
    ]

    def body(g_hbm, epk_hbm, z8_hbm, o8_hbm, *rest):
        if with_deg:
            acc_hbm, deg_hbm = rest[0], rest[1]
            scr = rest[2:]
        else:
            acc_hbm = rest[0]
            scr = rest[1:]
        (epk_v, src_v, dst_v, rows_v, ones_v, acc_sh, deg_sh,
         gsem, ssem, dsem) = scr
        c = lax.axis_index("c")
        s = lax.axis_index("s")

        pltpu.sync_copy(epk_hbm.at[s], epk_v)
        soff = c * N

        def unpk(j, carry):
            for k in range(CHUNK // 16):
                v = epk_v[j, pl.ds(k * 16, 16)]
                src_v[j, pl.ds(k * 16, 16)] = (v & 0xFFFF) + soff
                dst_v[j, pl.ds(k * 16, 16)] = v >> 16
            return carry

        lax.fori_loop(0, n_chunks, unpk, 0)

        zvec = jnp.zeros((16,), jnp.float32)

        def zrow(r, carry):
            for k in range(DH // 16):
                rows_v[0, r, pl.ds(k * 16, 16)] = zvec
            return carry

        lax.fori_loop(0, CHUNK, zrow, 0)
        if with_deg:
            pltpu.sync_copy(o8_hbm, ones_v)

        def zchunk(i, carry):
            base = (s + i * NS) * CHUNK
            pltpu.sync_copy(rows_v.at[0], acc_sh.at[pl.ds(base, CHUNK)])
            if with_deg:
                pltpu.sync_copy(z8_hbm, deg_sh.at[pl.ds(base, CHUNK)])
            return carry

        lax.fori_loop(0, (n_zchunks - s + NS - 1) // NS, zchunk, 0)
        plsc.subcore_barrier()

        pltpu.async_copy(g_hbm.at[src_v.at[0]], rows_v.at[0], gsem.at[0])
        pltpu.async_copy(g_hbm.at[src_v.at[1]], rows_v.at[1], gsem.at[1])

        def step(j, carry):
            slot = lax.rem(j, 4)

            @pl.when(j + 2 < n_chunks)
            def _prefetch():
                ps = lax.rem(j + 2, 4)

                @pl.when(j >= 2)
                def _wait_reuse():
                    pltpu.make_async_copy(
                        rows_v.at[ps], acc_sh.at[dst_v.at[j - 2]],
                        ssem.at[ps]).wait()

                pltpu.async_copy(g_hbm.at[src_v.at[j + 2]],
                                 rows_v.at[ps], gsem.at[ps])

            pltpu.make_async_copy(g_hbm.at[src_v.at[j]],
                                  rows_v.at[slot], gsem.at[slot]).wait()
            pltpu.async_copy(rows_v.at[slot], acc_sh.at[dst_v.at[j]],
                             ssem.at[slot], add=True)

            if with_deg:
                @pl.when(lax.rem(j, 2) == c)
                def _deg():
                    pltpu.async_copy(ones_v, deg_sh.at[dst_v.at[j]], dsem,
                                     add=True)

                    @pl.when(j >= 2)
                    def _deg_wait():
                        pltpu.make_async_copy(
                            ones_v, deg_sh.at[dst_v.at[j - 2]], dsem).wait()

            return carry

        lax.fori_loop(0, n_chunks, step, 0)

        def drain(t, carry):
            jj = n_chunks - 4 + t
            pltpu.make_async_copy(rows_v.at[lax.rem(jj, 4)],
                                  acc_sh.at[dst_v.at[jj]],
                                  ssem.at[lax.rem(jj, 4)]).wait()
            return carry

        lax.fori_loop(0, 4, drain, 0)
        if with_deg:
            pltpu.make_async_copy(
                ones_v, deg_sh.at[dst_v.at[n_chunks - 2 + c]], dsem).wait()
        plsc.subcore_barrier()

        @pl.when(s < 2)
        def _writeback():
            base = s * half
            pltpu.sync_copy(acc_sh.at[pl.ds(base, half)],
                            acc_hbm.at[c, pl.ds(base, half)])
            if with_deg:
                pltpu.sync_copy(deg_sh.at[pl.ds(base, half)],
                                deg_hbm.at[c, pl.ds(base, half)])

    return pl.kernel(body, out_type=out_type, mesh=mesh,
                     scratch_types=scratch,
                     compiler_params=pltpu.CompilerParams(
                         use_tc_tiling_on_sc=False))


def _sc_segsum(g2n, epk3, z8, o8, with_deg):
    return _sc_segsum_prog(epk3.shape[1], with_deg)(g2n, epk3, z8, o8)


def _mm_body(x_ref, w_ref, o_ref):
    y = jnp.dot(x_ref[...], w_ref[...], preferred_element_type=jnp.float32)
    o_ref[0] = y[:, :DH]
    o_ref[1] = y[:, DH:]


def _matmul(x, W):
    BM = 1000
    return pl.pallas_call(
        _mm_body,
        grid=(N // BM,),
        in_specs=[pl.BlockSpec((BM, D), lambda i: (i, 0)),
                  pl.BlockSpec((D, D), lambda i: (0, 0))],
        out_specs=pl.BlockSpec((NC, BM, DH), lambda i: (0, i, 0)),
        out_shape=jax.ShapeDtypeStruct((NC, N, DH), jnp.float32),
    )(x, W)


def _comb_mm_body(acc_ref, g_ref, deg_ref, b_ref, w_ref, o_ref):
    a = jnp.concatenate([acc_ref[0] + g_ref[0], acc_ref[1] + g_ref[1]],
                        axis=1)
    dg = deg_ref[0, :, 0:1] + deg_ref[1, :, 0:1] + 1.0
    h = jnp.maximum(a / dg + b_ref[...], 0.0)
    y = jnp.dot(h, w_ref[...], preferred_element_type=jnp.float32)
    o_ref[0] = y[:, :DH]
    o_ref[1] = y[:, DH:]


def _comb_body(acc_ref, g_ref, deg_ref, b_ref, o_ref):
    a = jnp.concatenate([acc_ref[0] + g_ref[0], acc_ref[1] + g_ref[1]],
                        axis=1)
    dg = deg_ref[0, :, 0:1] + deg_ref[1, :, 0:1] + 1.0
    o_ref[...] = jnp.maximum(a / dg + b_ref[...], 0.0)


def _combine(acc, g, deg, b, W=None):
    BM = 1000
    in_specs = [
        pl.BlockSpec((NC, BM, DH), lambda i: (0, i, 0)),
        pl.BlockSpec((NC, BM, DH), lambda i: (0, i, 0)),
        pl.BlockSpec((NC, BM, DEGW), lambda i: (0, i, 0)),
        pl.BlockSpec((1, D), lambda i: (0, 0)),
    ]
    args = [acc, g, deg, b.reshape(1, D)]
    if W is not None:
        in_specs.append(pl.BlockSpec((D, D), lambda i: (0, 0)))
        args.append(W)
        return pl.pallas_call(
            _comb_mm_body,
            grid=(N // BM,),
            in_specs=in_specs,
            out_specs=pl.BlockSpec((NC, BM, DH), lambda i: (0, i, 0)),
            out_shape=jax.ShapeDtypeStruct((NC, N, DH), jnp.float32),
        )(*args)
    return pl.pallas_call(
        _comb_body,
        grid=(N // BM,),
        in_specs=in_specs,
        out_specs=pl.BlockSpec((BM, D), lambda i: (i, 0)),
        out_shape=jax.ShapeDtypeStruct((N, D), jnp.float32),
    )(*args)


def kernel(x, edge_index, W1, b1, W2, b2):
    epk3 = (edge_index[0] | (edge_index[1] << 16)).reshape(NS, -1, CHUNK)
    z8 = jnp.zeros((CHUNK, DEGW), jnp.float32)
    o8 = jnp.ones((CHUNK, DEGW), jnp.float32)

    g1 = _matmul(x, W1)
    acc1, deg = _sc_segsum(g1.reshape(NC * N, DH), epk3, z8, o8,
                           with_deg=True)
    g2 = _combine(acc1, g1, deg, b1, W2)
    (acc2,) = _sc_segsum(g2.reshape(NC * N, DH), epk3, z8, o8,
                         with_deg=False)
    return _combine(acc2, g2, deg, b2)

# --- scband reference (transcript-rebuilt; emitter-appended) ---
"""Pipeline reference for scband-graph-nn-13271448945380 (READ-ONLY COPY).

The authoritative reference and input builder live on the scoring server;
editing this copy changes nothing except your own understanding.
"""

import jax, jax.numpy as jnp
import numpy as np

N = 10000
E = 320000
D = 128

def setup_inputs(seed: int = 0):
    key = jax.random.key(seed)
    k1, k2, k3, k4 = jax.random.split(key, 4)
    x = jax.random.normal(k1, (N, D), dtype=jnp.float32)
    edge_index = jax.random.randint(k2, (2, E), 0, N, dtype=jnp.int32)
    s = 1.0 / np.sqrt(D)
    W1 = jax.random.uniform(k3, (D, D), minval=-s, maxval=s, dtype=jnp.float32)
    b1 = jnp.zeros((D,), jnp.float32)
    W2 = jax.random.uniform(k4, (D, D), minval=-s, maxval=s, dtype=jnp.float32)
    b2 = jnp.zeros((D,), jnp.float32)
    return {"x": x, "edge_index": edge_index, "W1": W1, "b1": b1, "W2": W2, "b2": b2}

def _sage_gcn(h, src, dst, W, b):
    # DGL SAGEConv with aggregator_type='gcn' (eval mode, feat_drop inactive):
    # h_neigh = (sum_{u in N(v)} h_u + h_v) / (in_deg(v) + 1); out = relu(h_neigh @ W + b)
    neigh = jax.ops.segment_sum(h[src], dst, num_segments=N)
    deg = jax.ops.segment_sum(jnp.ones((src.shape[0],), h.dtype), dst, num_segments=N)
    h_neigh = (neigh + h) / (deg[:, None] + 1.0)
    return jax.nn.relu(h_neigh @ W + b)

def reference(x, edge_index, W1, b1, W2, b2):
    src = edge_index[0]
    dst = edge_index[1]
    h = _sage_gcn(x, src, dst, W1, b1)
    h = _sage_gcn(h, src, dst, W2, b2)
    # _merge_on(graphs, 'nodes', 'h') returns the (batched) node feature matrix; identity for a single graph
    return h

if __name__ == "__main__":
    import jax
    _d = setup_inputs()
    print(jax.jit(kernel)(*tuple(_d.values())))

</pallas_src>

<mosaic_0001>
#map = affine_map<(d0, d1) -> (0, 0)>
#map1 = affine_map<(d0, d1) -> (0, 0, 0)>
module attributes {stable_mosaic.version = 14 : i64} {
  func.func @body(%arg0: i32, %arg1: i32, %arg2: memref<20000x64xf32, #tpu.memory_space<hbm>>, %arg3: memref<16x250x80xi32, #tpu.memory_space<hbm>>, %arg4: memref<80x8xf32, #tpu.memory_space<hbm>>, %arg5: memref<80x8xf32, #tpu.memory_space<hbm>>, %arg6: memref<2x10000x64xf32, #tpu.memory_space<hbm>>, %arg7: memref<2x10000x8xf32, #tpu.memory_space<hbm>>, %arg8: memref<250x80xi32, #tpu.memory_space<vmem>>, %arg9: memref<250x80xi32, #tpu.memory_space<vmem>>, %arg10: memref<250x80xi32, #tpu.memory_space<vmem>>, %arg11: memref<4x80x64xf32, #tpu.memory_space<vmem>>, %arg12: memref<80x8xf32, #tpu.memory_space<vmem>>, %arg13: memref<10000x64xf32, #tpu.memory_space<vmem_shared>>, %arg14: memref<10000x8xf32, #tpu.memory_space<vmem_shared>>, %arg15: memref<4x!tpu.dma_semaphore, #tpu.memory_space<semaphore_mem>>, %arg16: memref<4x!tpu.dma_semaphore, #tpu.memory_space<semaphore_mem>>, %arg17: memref<!tpu.dma_semaphore, #tpu.memory_space<semaphore_mem>>) attributes {dimension_semantics = [#tpu.dimension_semantics<core_parallel>, #tpu.dimension_semantics<subcore_parallel>], iteration_bounds = array<i64: 2, 16>, scalar_prefetch = 0 : i64, scratch_operands = 10 : i64, tpu.core_type = #tpu.core_type<sc_vector_subcore>, window_params = [{transform_indices = #map}, {transform_indices = #map1}, {transform_indices = #map}, {transform_indices = #map}, {transform_indices = #map1}, {transform_indices = #map1}]} {
    "tpu.region"() ({
      %run_scoped3A = tpu.sem_alloc : memref<!tpu.dma_semaphore, #tpu.memory_space<semaphore_mem>>
      %dma_start3A_94 = arith.constant 0 : i32
      %dma_start3A_95 = arith.constant 0 : i32
      %dma_start3A_96 = tpu.memref_slice %arg3[%arg1, %dma_start3A_94, %dma_start3A_95] : memref<16x250x80xi32, #tpu.memory_space<hbm>> -> memref<1x250x80xi32, #tpu.memory_space<hbm>>
      %dma_start3A_97 = tpu.memref_squeeze %dma_start3A_96 : memref<1x250x80xi32, #tpu.memory_space<hbm>> -> memref<250x80xi32, #tpu.memory_space<hbm>>
      %dma_start3A_98 = arith.constant 0 : i32
      %dma_start3A_99 = arith.constant 0 : i32
      %dma_start3A_100 = tpu.memref_slice %arg3[%arg1, %dma_start3A_98, %dma_start3A_99] : memref<16x250x80xi32, #tpu.memory_space<hbm>> -> memref<1x250x80xi32, #tpu.memory_space<hbm>>
      %dma_start3A_101 = tpu.memref_squeeze %dma_start3A_100 : memref<1x250x80xi32, #tpu.memory_space<hbm>> -> memref<250x80xi32, #tpu.memory_space<hbm>>
      tpu.enqueue_dma source(%dma_start3A_101 : memref<250x80xi32, #tpu.memory_space<hbm>>) target(%arg8 : memref<250x80xi32, #tpu.memory_space<vmem>>) target_semaphore(%run_scoped3A : memref<!tpu.dma_semaphore, #tpu.memory_space<semaphore_mem>>)
      %dma_wait3A_102 = arith.constant 0 : i32
      %dma_wait3A_103 = arith.constant 0 : i32
      %dma_wait3A_104 = tpu.memref_slice %arg3[%arg1, %dma_wait3A_102, %dma_wait3A_103] : memref<16x250x80xi32, #tpu.memory_space<hbm>> -> memref<1x250x80xi32, #tpu.memory_space<hbm>>
      %dma_wait3A_105 = tpu.memref_squeeze %dma_wait3A_104 : memref<1x250x80xi32, #tpu.memory_space<hbm>> -> memref<250x80xi32, #tpu.memory_space<hbm>>
      %dma_wait3A_106 = arith.constant 0 : i32
      %dma_wait3A_107 = arith.constant 0 : i32
      %dma_wait3A_108 = tpu.memref_slice %arg3[%arg1, %dma_wait3A_106, %dma_wait3A_107] : memref<16x250x80xi32, #tpu.memory_space<hbm>> -> memref<1x250x80xi32, #tpu.memory_space<hbm>>
      %dma_wait3A_109 = tpu.memref_squeeze %dma_wait3A_108 : memref<1x250x80xi32, #tpu.memory_space<hbm>> -> memref<250x80xi32, #tpu.memory_space<hbm>>
      tpu.wait_dma2 semaphore(%run_scoped3A : memref<!tpu.dma_semaphore, #tpu.memory_space<semaphore_mem>>) src(%dma_wait3A_109 : memref<250x80xi32, #tpu.memory_space<hbm>>) dst(%arg8 : memref<250x80xi32, #tpu.memory_space<vmem>>)
      tpu.yield
    }) : () -> ()
    %mul3A = arith.constant 10000 : i32
    %mul3A_0 = arith.muli %arg0, %mul3A : i32
    %scan3A = arith.constant 0 : i32
    %scan3A_1 = arith.constant 0 : i32
    %scan3A_2 = arith.constant 250 : i32
    %scan3A_3 = arith.addi %scan3A_1, %scan3A_2 : i32
    %scan3A_4 = arith.constant 1 : i32
    scf.for %scan3A_94 = %scan3A_1 to %scan3A_3 step %scan3A_4  : i32 {
      %get3A = arith.index_cast %scan3A_94 : i32 to index
      %get3A_95 = arith.constant 0 : index
      %get3A_96 = tpu.vector_load %arg8[%get3A, %get3A_95] {strides = array<i32>} : memref<250x80xi32, #tpu.memory_space<vmem>>, vector<1x16xi32>,
      %get3A_97 = vector.shape_cast %get3A_96 : vector<1x16xi32> to vector<16xi32>
      %and3A_98 = arith.constant 65535 : i32
      %and3A_99 = vector.broadcast %and3A_98 : i32 to vector<16xi32>
      %and3A_100 = arith.andi %get3A_97, %and3A_99 : vector<16xi32>
      %add3A_101 = vector.broadcast %mul3A_0 : i32 to vector<16xi32>
      %add3A_102 = arith.addi %and3A_100, %add3A_101 : vector<16xi32>
      %swap3A = arith.index_cast %scan3A_94 : i32 to index
      %swap3A_103 = arith.constant 0 : index
      %swap3A_104 = tpu.vector_load %arg9[%swap3A, %swap3A_103] {strides = array<i32>} : memref<250x80xi32, #tpu.memory_space<vmem>>, vector<1x16xi32>,
      %swap3A_105 = vector.shape_cast %swap3A_104 : vector<1x16xi32> to vector<16xi32>
      %swap3A_106 = vector.shape_cast %add3A_102 : vector<16xi32> to vector<1x16xi32>
      tpu.vector_store %arg9[%swap3A, %swap3A_103], %swap3A_106 {strides = array<i32>} : memref<250x80xi32, #tpu.memory_space<vmem>>, vector<1x16xi32>,
      %shift_right_arithmetic3A = arith.constant 16 : i32
      %shift_right_arithmetic3A_107 = vector.broadcast %shift_right_arithmetic3A : i32 to vector<16xi32>
      %shift_right_arithmetic3A_108 = arith.shrsi %get3A_97, %shift_right_arithmetic3A_107 : vector<16xi32>
      %swap3A_109 = arith.index_cast %scan3A_94 : i32 to index
      %swap3A_110 = arith.constant 0 : index
      %swap3A_111 = tpu.vector_load %arg10[%swap3A_109, %swap3A_110] {strides = array<i32>} : memref<250x80xi32, #tpu.memory_space<vmem>>, vector<1x16xi32>,
      %swap3A_112 = vector.shape_cast %swap3A_111 : vector<1x16xi32> to vector<16xi32>
      %swap3A_113 = vector.shape_cast %shift_right_arithmetic3A_108 : vector<16xi32> to vector<1x16xi32>
      tpu.vector_store %arg10[%swap3A_109, %swap3A_110], %swap3A_113 {strides = array<i32>} : memref<250x80xi32, #tpu.memory_space<vmem>>, vector<1x16xi32>,
      %get3A_114 = arith.index_cast %scan3A_94 : i32 to index
      %get3A_115 = arith.constant 16 : index
      %get3A_116 = tpu.vector_load %arg8[%get3A_114, %get3A_115] {strides = array<i32>} : memref<250x80xi32, #tpu.memory_space<vmem>>, vector<1x16xi32>,
      %get3A_117 = vector.shape_cast %get3A_116 : vector<1x16xi32> to vector<16xi32>
      %and3A_118 = arith.constant 65535 : i32
      %and3A_119 = vector.broadcast %and3A_118 : i32 to vector<16xi32>
      %and3A_120 = arith.andi %get3A_117, %and3A_119 : vector<16xi32>
      %add3A_121 = vector.broadcast %mul3A_0 : i32 to vector<16xi32>
      %add3A_122 = arith.addi %and3A_120, %add3A_121 : vector<16xi32>
      %swap3A_123 = arith.index_cast %scan3A_94 : i32 to index
      %swap3A_124 = arith.constant 16 : index
      %swap3A_125 = tpu.vector_load %arg9[%swap3A_123, %swap3A_124] {strides = array<i32>} : memref<250x80xi32, #tpu.memory_space<vmem>>, vector<1x16xi32>,
      %swap3A_126 = vector.shape_cast %swap3A_125 : vector<1x16xi32> to vector<16xi32>
      %swap3A_127 = vector.shape_cast %add3A_122 : vector<16xi32> to vector<1x16xi32>
      tpu.vector_store %arg9[%swap3A_123, %swap3A_124], %swap3A_127 {strides = array<i32>} : memref<250x80xi32, #tpu.memory_space<vmem>>, vector<1x16xi32>,
      %shift_right_arithmetic3A_128 = arith.constant 16 : i32
      %shift_right_arithmetic3A_129 = vector.broadcast %shift_right_arithmetic3A_128 : i32 to vector<16xi32>
      %shift_right_arithmetic3A_130 = arith.shrsi %get3A_117, %shift_right_arithmetic3A_129 : vector<16xi32>
      %swap3A_131 = arith.index_cast %scan3A_94 : i32 to index
      %swap3A_132 = arith.constant 16 : index
      %swap3A_133 = tpu.vector_load %arg10[%swap3A_131, %swap3A_132] {strides = array<i32>} : memref<250x80xi32, #tpu.memory_space<vmem>>, vector<1x16xi32>,
      %swap3A_134 = vector.shape_cast %swap3A_133 : vector<1x16xi32> to vector<16xi32>
      %swap3A_135 = vector.shape_cast %shift_right_arithmetic3A_130 : vector<16xi32> to vector<1x16xi32>
      tpu.vector_store %arg10[%swap3A_131, %swap3A_132], %swap3A_135 {strides = array<i32>} : memref<250x80xi32, #tpu.memory_space<vmem>>, vector<1x16xi32>,
      %get3A_136 = arith.index_cast %scan3A_94 : i32 to index
      %get3A_137 = arith.constant 32 : index
      %get3A_138 = tpu.vector_load %arg8[%get3A_136, %get3A_137] {strides = array<i32>} : memref<250x80xi32, #tpu.memory_space<vmem>>, vector<1x16xi32>,
      %get3A_139 = vector.shape_cast %get3A_138 : vector<1x16xi32> to vector<16xi32>
      %and3A_140 = arith.constant 65535 : i32
      %and3A_141 = vector.broadcast %and3A_140 : i32 to vector<16xi32>
      %and3A_142 = arith.andi %get3A_139, %and3A_141 : vector<16xi32>
      %add3A_143 = vector.broadcast %mul3A_0 : i32 to vector<16xi32>
      %add3A_144 = arith.addi %and3A_142, %add3A_143 : vector<16xi32>
      %swap3A_145 = arith.index_cast %scan3A_94 : i32 to index
      %swap3A_146 = arith.constant 32 : index
      %swap3A_147 = tpu.vector_load %arg9[%swap3A_145, %swap3A_146] {strides = array<i32>} : memref<250x80xi32, #tpu.memory_space<vmem>>, vector<1x16xi32>,
      %swap3A_148 = vector.shape_cast %swap3A_147 : vector<1x16xi32> to vector<16xi32>
      %swap3A_149 = vector.shape_cast %add3A_144 : vector<16xi32> to vector<1x16xi32>
      tpu.vector_store %arg9[%swap3A_145, %swap3A_146], %swap3A_149 {strides = array<i32>} : memref<250x80xi32, #tpu.memory_space<vmem>>, vector<1x16xi32>,
      %shift_right_arithmetic3A_150 = arith.constant 16 : i32
      %shift_right_arithmetic3A_151 = vector.broadcast %shift_right_arithmetic3A_150 : i32 to vector<16xi32>
      %shift_right_arithmetic3A_152 = arith.shrsi %get3A_139, %shift_right_arithmetic3A_151 : vector<16xi32>
      %swap3A_153 = arith.index_cast %scan3A_94 : i32 to index
      %swap3A_154 = arith.constant 32 : index
      %swap3A_155 = tpu.vector_load %arg10[%swap3A_153, %swap3A_154] {strides = array<i32>} : memref<250x80xi32, #tpu.memory_space<vmem>>, vector<1x16xi32>,
      %swap3A_156 = vector.shape_cast %swap3A_155 : vector<1x16xi32> to vector<16xi32>
      %swap3A_157 = vector.shape_cast %shift_right_arithmetic3A_152 : vector<16xi32> to vector<1x16xi32>
      tpu.vector_store %arg10[%swap3A_153, %swap3A_154], %swap3A_157 {strides = array<i32>} : memref<250x80xi32, #tpu.memory_space<vmem>>, vector<1x16xi32>,
      %get3A_158 = arith.index_cast %scan3A_94 : i32 to index
      %get3A_159 = arith.constant 48 : index
      %get3A_160 = tpu.vector_load %arg8[%get3A_158, %get3A_159] {strides = array<i32>} : memref<250x80xi32, #tpu.memory_space<vmem>>, vector<1x16xi32>,
      %get3A_161 = vector.shape_cast %get3A_160 : vector<1x16xi32> to vector<16xi32>
      %and3A_162 = arith.constant 65535 : i32
      %and3A_163 = vector.broadcast %and3A_162 : i32 to vector<16xi32>
      %and3A_164 = arith.andi %get3A_161, %and3A_163 : vector<16xi32>
      %add3A_165 = vector.broadcast %mul3A_0 : i32 to vector<16xi32>
      %add3A_166 = arith.addi %and3A_164, %add3A_165 : vector<16xi32>
      %swap3A_167 = arith.index_cast %scan3A_94 : i32 to index
      %swap3A_168 = arith.constant 48 : index
      %swap3A_169 = tpu.vector_load %arg9[%swap3A_167, %swap3A_168] {strides = array<i32>} : memref<250x80xi32, #tpu.memory_space<vmem>>, vector<1x16xi32>,
      %swap3A_170 = vector.shape_cast %swap3A_169 : vector<1x16xi32> to vector<16xi32>
      %swap3A_171 = vector.shape_cast %add3A_166 : vector<16xi32> to vector<1x16xi32>
      tpu.vector_store %arg9[%swap3A_167, %swap3A_168], %swap3A_171 {strides = array<i32>} : memref<250x80xi32, #tpu.memory_space<vmem>>, vector<1x16xi32>,
      %shift_right_arithmetic3A_172 = arith.constant 16 : i32
      %shift_right_arithmetic3A_173 = vector.broadcast %shift_right_arithmetic3A_172 : i32 to vector<16xi32>
      %shift_right_arithmetic3A_174 = arith.shrsi %get3A_161, %shift_right_arithmetic3A_173 : vector<16xi32>
      %swap3A_175 = arith.index_cast %scan3A_94 : i32 to index
      %swap3A_176 = arith.constant 48 : index
      %swap3A_177 = tpu.vector_load %arg10[%swap3A_175, %swap3A_176] {strides = array<i32>} : memref<250x80xi32, #tpu.memory_space<vmem>>, vector<1x16xi32>,
      %swap3A_178 = vector.shape_cast %swap3A_177 : vector<1x16xi32> to vector<16xi32>
      %swap3A_179 = vector.shape_cast %shift_right_arithmetic3A_174 : vector<16xi32> to vector<1x16xi32>
      tpu.vector_store %arg10[%swap3A_175, %swap3A_176], %swap3A_179 {strides = array<i32>} : memref<250x80xi32, #tpu.memory_space<vmem>>, vector<1x16xi32>,
      %get3A_180 = arith.index_cast %scan3A_94 : i32 to index
      %get3A_181 = arith.constant 64 : index
      %get3A_182 = tpu.vector_load %arg8[%get3A_180, %get3A_181] {strides = array<i32>} : memref<250x80xi32, #tpu.memory_space<vmem>>, vector<1x16xi32>,
      %get3A_183 = vector.shape_cast %get3A_182 : vector<1x16xi32> to vector<16xi32>
      %and3A_184 = arith.constant 65535 : i32
      %and3A_185 = vector.broadcast %and3A_184 : i32 to vector<16xi32>
      %and3A_186 = arith.andi %get3A_183, %and3A_185 : vector<16xi32>
      %add3A_187 = vector.broadcast %mul3A_0 : i32 to vector<16xi32>
      %add3A_188 = arith.addi %and3A_186, %add3A_187 : vector<16xi32>
      %swap3A_189 = arith.index_cast %scan3A_94 : i32 to index
      %swap3A_190 = arith.constant 64 : index
      %swap3A_191 = tpu.vector_load %arg9[%swap3A_189, %swap3A_190] {strides = array<i32>} : memref<250x80xi32, #tpu.memory_space<vmem>>, vector<1x16xi32>,
      %swap3A_192 = vector.shape_cast %swap3A_191 : vector<1x16xi32> to vector<16xi32>
      %swap3A_193 = vector.shape_cast %add3A_188 : vector<16xi32> to vector<1x16xi32>
      tpu.vector_store %arg9[%swap3A_189, %swap3A_190], %swap3A_193 {strides = array<i32>} : memref<250x80xi32, #tpu.memory_space<vmem>>, vector<1x16xi32>,
      %shift_right_arithmetic3A_194 = arith.constant 16 : i32
      %shift_right_arithmetic3A_195 = vector.broadcast %shift_right_arithmetic3A_194 : i32 to vector<16xi32>
      %shift_right_arithmetic3A_196 = arith.shrsi %get3A_183, %shift_right_arithmetic3A_195 : vector<16xi32>
      %swap3A_197 = arith.index_cast %scan3A_94 : i32 to index
      %swap3A_198 = arith.constant 64 : index
      %swap3A_199 = tpu.vector_load %arg10[%swap3A_197, %swap3A_198] {strides = array<i32>} : memref<250x80xi32, #tpu.memory_space<vmem>>, vector<1x16xi32>,
      %swap3A_200 = vector.shape_cast %swap3A_199 : vector<1x16xi32> to vector<16xi32>
      %swap3A_201 = vector.shape_cast %shift_right_arithmetic3A_196 : vector<16xi32> to vector<1x16xi32>
      tpu.vector_store %arg10[%swap3A_197, %swap3A_198], %swap3A_201 {strides = array<i32>} : memref<250x80xi32, #tpu.memory_space<vmem>>, vector<1x16xi32>,
    }
    %scan3A_5 = arith.constant 250 : i32
    %broadcast_in_dim3A = arith.constant 0.000000e+00 : f32
    %broadcast_in_dim3A_6 = vector.broadcast %broadcast_in_dim3A : f32 to vector<16xf32>
    %scan3A_7 = arith.constant 0 : i32
    %scan3A_8 = arith.constant 0 : i32
    %scan3A_9 = arith.constant 80 : i32
    %scan3A_10 = arith.addi %scan3A_8, %scan3A_9 : i32
    %scan3A_11 = arith.constant 1 : i32
    scf.for %scan3A_94 = %scan3A_8 to %scan3A_10 step %scan3A_11  : i32 {
      %swap3A = arith.constant 0 : i32
      %swap3A_95 = arith.index_cast %swap3A : i32 to index
      %swap3A_96 = arith.index_cast %scan3A_94 : i32 to index
      %swap3A_97 = arith.constant 0 : index
      %swap3A_98 = tpu.vector_load %arg11[%swap3A_95, %swap3A_96, %swap3A_97] {strides = array<i32>} : memref<4x80x64xf32, #tpu.memory_space<vmem>>, vector<1x1x16xf32>,
      %swap3A_99 = vector.shape_cast %swap3A_98 : vector<1x1x16xf32> to vector<16xf32>
      %swap3A_100 = vector.shape_cast %broadcast_in_dim3A_6 : vector<16xf32> to vector<1x1x16xf32>
      tpu.vector_store %arg11[%swap3A_95, %swap3A_96, %swap3A_97], %swap3A_100 {strides = array<i32>} : memref<4x80x64xf32, #tpu.memory_space<vmem>>, vector<1x1x16xf32>,
      %swap3A_101 = arith.constant 0 : i32
      %swap3A_102 = arith.index_cast %swap3A_101 : i32 to index
      %swap3A_103 = arith.index_cast %scan3A_94 : i32 to index
      %swap3A_104 = arith.constant 16 : index
      %swap3A_105 = tpu.vector_load %arg11[%swap3A_102, %swap3A_103, %swap3A_104] {strides = array<i32>} : memref<4x80x64xf32, #tpu.memory_space<vmem>>, vector<1x1x16xf32>,
      %swap3A_106 = vector.shape_cast %swap3A_105 : vector<1x1x16xf32> to vector<16xf32>
      %swap3A_107 = vector.shape_cast %broadcast_in_dim3A_6 : vector<16xf32> to vector<1x1x16xf32>
      tpu.vector_store %arg11[%swap3A_102, %swap3A_103, %swap3A_104], %swap3A_107 {strides = array<i32>} : memref<4x80x64xf32, #tpu.memory_space<vmem>>, vector<1x1x16xf32>,
      %swap3A_108 = arith.constant 0 : i32
      %swap3A_109 = arith.index_cast %swap3A_108 : i32 to index
      %swap3A_110 = arith.index_cast %scan3A_94 : i32 to index
      %swap3A_111 = arith.constant 32 : index
      %swap3A_112 = tpu.vector_load %arg11[%swap3A_109, %swap3A_110, %swap3A_111] {strides = array<i32>} : memref<4x80x64xf32, #tpu.memory_space<vmem>>, vector<1x1x16xf32>,
      %swap3A_113 = vector.shape_cast %swap3A_112 : vector<1x1x16xf32> to vector<16xf32>
      %swap3A_114 = vector.shape_cast %broadcast_in_dim3A_6 : vector<16xf32> to vector<1x1x16xf32>
      tpu.vector_store %arg11[%swap3A_109, %swap3A_110, %swap3A_111], %swap3A_114 {strides = array<i32>} : memref<4x80x64xf32, #tpu.memory_space<vmem>>, vector<1x1x16xf32>,
      %swap3A_115 = arith.constant 0 : i32
      %swap3A_116 = arith.index_cast %swap3A_115 : i32 to index
      %swap3A_117 = arith.index_cast %scan3A_94 : i32 to index
      %swap3A_118 = arith.constant 48 : index
      %swap3A_119 = tpu.vector_load %arg11[%swap3A_116, %swap3A_117, %swap3A_118] {strides = array<i32>} : memref<4x80x64xf32, #tpu.memory_space<vmem>>, vector<1x1x16xf32>,
      %swap3A_120 = vector.shape_cast %swap3A_119 : vector<1x1x16xf32> to vector<16xf32>
      %swap3A_121 = vector.shape_cast %broadcast_in_dim3A_6 : vector<16xf32> to vector<1x1x16xf32>
      tpu.vector_store %arg11[%swap3A_116, %swap3A_117, %swap3A_118], %swap3A_121 {strides = array<i32>} : memref<4x80x64xf32, #tpu.memory_space<vmem>>, vector<1x1x16xf32>,
    }
    %scan3A_12 = arith.constant 80 : i32
    "tpu.region"() ({
      %run_scoped3A = tpu.sem_alloc : memref<!tpu.dma_semaphore, #tpu.memory_space<semaphore_mem>>
      tpu.enqueue_dma source(%arg5 : memref<80x8xf32, #tpu.memory_space<hbm>>) target(%arg12 : memref<80x8xf32, #tpu.memory_space<vmem>>) target_semaphore(%run_scoped3A : memref<!tpu.dma_semaphore, #tpu.memory_space<semaphore_mem>>)
      tpu.wait_dma2 semaphore(%run_scoped3A : memref<!tpu.dma_semaphore, #tpu.memory_space<semaphore_mem>>) src(%arg5 : memref<80x8xf32, #tpu.memory_space<hbm>>) dst(%arg12 : memref<80x8xf32, #tpu.memory_space<vmem>>)
      tpu.yield
    }) : () -> ()
    %sub3A = arith.constant 125 : i32
    %sub3A_13 = arith.subi %sub3A, %arg1 : i32
    %add3A = arith.constant 16 : i32
    %add3A_14 = arith.addi %sub3A_13, %add3A : i32
    %sub3A_15 = arith.constant 1 : i32
    %sub3A_16 = arith.subi %add3A_14, %sub3A_15 : i32
    %jit3A = arith.constant 16 : i32
    %div3A = arith.divsi %sub3A_16, %jit3A : i32
    %sign3A = arith.constant 0 : i32
    %sign3A_17 = arith.cmpi sgt, %sub3A_16, %sign3A : i32
    %sign3A_18 = arith.extui %sign3A_17 : i1 to i32
    %sign3A_19 = arith.constant 0 : i32
    %sign3A_20 = arith.cmpi slt, %sub3A_16, %sign3A_19 : i32
    %sign3A_21 = arith.extui %sign3A_20 : i1 to i32
    %sign3A_22 = arith.subi %sign3A_18, %sign3A_21 : i32
    %sign3A_23 = arith.constant 0 : i32
    %sign3A_24 = arith.cmpi sgt, %jit3A, %sign3A_23 : i32
    %sign3A_25 = arith.extui %sign3A_24 : i1 to i32
    %sign3A_26 = arith.constant 0 : i32
    %sign3A_27 = arith.cmpi slt, %jit3A, %sign3A_26 : i32
    %sign3A_28 = arith.extui %sign3A_27 : i1 to i32
    %sign3A_29 = arith.subi %sign3A_25, %sign3A_28 : i32
    %ne3A = arith.cmpi ne, %sign3A_22, %sign3A_29 : i32
    %rem3A = arith.remsi %sub3A_16, %jit3A : i32
    %ne3A_30 = arith.constant 0 : i32
    %ne3A_31 = arith.cmpi ne, %rem3A, %ne3A_30 : i32
    %and3A = arith.andi %ne3A, %ne3A_31 : i1
    %sub3A_32 = arith.constant 1 : i32
    %sub3A_33 = arith.subi %div3A, %sub3A_32 : i32
    %select_n3A = arith.select %and3A, %sub3A_33, %div3A : i32
    %while3A = arith.constant 0 : i32
    %while3A_34 = arith.constant 0 : i32
    %while3A_35 = arith.subi %select_n3A, %while3A_34 : i32
    %while3A_36 = arith.addi %while3A_34, %while3A_35 : i32
    %while3A_37 = arith.constant 1 : i32
    %while3A_38 = arith.divsi %while3A_35, %while3A_37 : i32
    %while3A_39 = arith.muli %while3A_38, %while3A_37 : i32
    %while3A_40 = arith.addi %while3A_34, %while3A_39 : i32
    %while3A_41 = arith.constant 1 : i32
    scf.for %while3A_94 = %while3A_34 to %while3A_40 step %while3A_41  : i32 {
      %mul3A_95 = arith.constant 16 : i32
      %mul3A_96 = arith.muli %while3A_94, %mul3A_95 : i32
      %add3A_97 = arith.addi %arg1, %mul3A_96 : i32
      %mul3A_98 = arith.constant 80 : i32
      %mul3A_99 = arith.muli %add3A_97, %mul3A_98 : i32
      %run_scoped3A = arith.constant 0 : i32
      "tpu.region"() ({
        %run_scoped3A_100 = tpu.sem_alloc : memref<!tpu.dma_semaphore, #tpu.memory_space<semaphore_mem>>
        %dma_start3A_101 = arith.constant 0 : i32
        %dma_start3A_102 = arith.constant 0 : i32
        %dma_start3A_103 = tpu.memref_slice %arg11[%run_scoped3A, %dma_start3A_101, %dma_start3A_102] : memref<4x80x64xf32, #tpu.memory_space<vmem>> -> memref<1x80x64xf32, #tpu.memory_space<vmem>>
        %dma_start3A_104 = tpu.memref_squeeze %dma_start3A_103 : memref<1x80x64xf32, #tpu.memory_space<vmem>> -> memref<80x64xf32, #tpu.memory_space<vmem>>
        %dma_start3A_105 = arith.constant 0 : i32
        %dma_start3A_106 = tpu.memref_slice %arg13[%mul3A_99, %dma_start3A_105] : memref<10000x64xf32, #tpu.memory_space<vmem_shared>> -> memref<80x64xf32, #tpu.memory_space<vmem_shared>>
        %dma_start3A_107 = arith.constant 0 : i32
        %dma_start3A_108 = tpu.memref_slice %arg13[%mul3A_99, %dma_start3A_107] : memref<10000x64xf32, #tpu.memory_space<vmem_shared>> -> memref<80x64xf32, #tpu.memory_space<vmem_shared>>
        %dma_start3A_109 = arith.constant 0 : i32
        %dma_start3A_110 = arith.constant 0 : i32
        %dma_start3A_111 = tpu.memref_slice %arg11[%run_scoped3A, %dma_start3A_109, %dma_start3A_110] : memref<4x80x64xf32, #tpu.memory_space<vmem>> -> memref<1x80x64xf32, #tpu.memory_space<vmem>>
        %dma_start3A_112 = tpu.memref_squeeze %dma_start3A_111 : memref<1x80x64xf32, #tpu.memory_space<vmem>> -> memref<80x64xf32, #tpu.memory_space<vmem>>
        tpu.enqueue_dma source(%dma_start3A_112 : memref<80x64xf32, #tpu.memory_space<vmem>>) target(%dma_start3A_108 : memref<80x64xf32, #tpu.memory_space<vmem_shared>>) target_semaphore(%run_scoped3A_100 : memref<!tpu.dma_semaphore, #tpu.memory_space<semaphore_mem>>)
        %dma_wait3A_113 = arith.constant 0 : i32
        %dma_wait3A_114 = arith.constant 0 : i32
        %dma_wait3A_115 = tpu.memref_slice %arg11[%run_scoped3A, %dma_wait3A_113, %dma_wait3A_114] : memref<4x80x64xf32, #tpu.memory_space<vmem>> -> memref<1x80x64xf32, #tpu.memory_space<vmem>>
        %dma_wait3A_116 = tpu.memref_squeeze %dma_wait3A_115 : memref<1x80x64xf32, #tpu.memory_space<vmem>> -> memref<80x64xf32, #tpu.memory_space<vmem>>
        %dma_wait3A_117 = arith.constant 0 : i32
        %dma_wait3A_118 = tpu.memref_slice %arg13[%mul3A_99, %dma_wait3A_117] : memref<10000x64xf32, #tpu.memory_space<vmem_shared>> -> memref<80x64xf32, #tpu.memory_space<vmem_shared>>
        %dma_wait3A_119 = arith.constant 0 : i32
        %dma_wait3A_120 = tpu.memref_slice %arg13[%mul3A_99, %dma_wait3A_119] : memref<10000x64xf32, #tpu.memory_space<vmem_shared>> -> memref<80x64xf32, #tpu.memory_space<vmem_shared>>
        %dma_wait3A_121 = arith.constant 0 : i32
        %dma_wait3A_122 = arith.constant 0 : i32
        %dma_wait3A_123 = tpu.memref_slice %arg11[%run_scoped3A, %dma_wait3A_121, %dma_wait3A_122] : memref<4x80x64xf32, #tpu.memory_space<vmem>> -> memref<1x80x64xf32, #tpu.memory_space<vmem>>
        %dma_wait3A_124 = tpu.memref_squeeze %dma_wait3A_123 : memref<1x80x64xf32, #tpu.memory_space<vmem>> -> memref<80x64xf32, #tpu.memory_space<vmem>>
        tpu.wait_dma2 semaphore(%run_scoped3A_100 : memref<!tpu.dma_semaphore, #tpu.memory_space<semaphore_mem>>) src(%dma_wait3A_124 : memref<80x64xf32, #tpu.memory_space<vmem>>) dst(%dma_wait3A_120 : memref<80x64xf32, #tpu.memory_space<vmem_shared>>)
        tpu.yield
      }) : () -> ()
      "tpu.region"() ({
        %run_scoped3A_100 = tpu.sem_alloc : memref<!tpu.dma_semaphore, #tpu.memory_space<semaphore_mem>>
        %dma_start3A_101 = arith.constant 0 : i32
        %dma_start3A_102 = tpu.memref_slice %arg14[%mul3A_99, %dma_start3A_101] : memref<10000x8xf32, #tpu.memory_space<vmem_shared>> -> memref<80x8xf32, #tpu.memory_space<vmem_shared>>
        tpu.enqueue_dma source(%arg4 : memref<80x8xf32, #tpu.memory_space<hbm>>) target(%dma_start3A_102 : memref<80x8xf32, #tpu.memory_space<vmem_shared>>) target_semaphore(%run_scoped3A_100 : memref<!tpu.dma_semaphore, #tpu.memory_space<semaphore_mem>>)
        %dma_wait3A_103 = arith.constant 0 : i32
        %dma_wait3A_104 = tpu.memref_slice %arg14[%mul3A_99, %dma_wait3A_103] : memref<10000x8xf32, #tpu.memory_space<vmem_shared>> -> memref<80x8xf32, #tpu.memory_space<vmem_shared>>
        tpu.wait_dma2 semaphore(%run_scoped3A_100 : memref<!tpu.dma_semaphore, #tpu.memory_space<semaphore_mem>>) src(%arg4 : memref<80x8xf32, #tpu.memory_space<hbm>>) dst(%dma_wait3A_104 : memref<80x8xf32, #tpu.memory_space<vmem_shared>>)
        tpu.yield
      }) : () -> ()
    }
    %while3A_42 = arith.constant 1 : i32
    scf.for %while3A_94 = %while3A_40 to %while3A_36 step %while3A_42  : i32 {
      %mul3A_95 = arith.constant 16 : i32
      %mul3A_96 = arith.muli %while3A_94, %mul3A_95 : i32
      %add3A_97 = arith.addi %arg1, %mul3A_96 : i32
      %mul3A_98 = arith.constant 80 : i32
      %mul3A_99 = arith.muli %add3A_97, %mul3A_98 : i32
      %run_scoped3A = arith.constant 0 : i32
      "tpu.region"() ({
        %run_scoped3A_100 = tpu.sem_alloc : memref<!tpu.dma_semaphore, #tpu.memory_space<semaphore_mem>>
        %dma_start3A_101 = arith.constant 0 : i32
        %dma_start3A_102 = arith.constant 0 : i32
        %dma_start3A_103 = tpu.memref_slice %arg11[%run_scoped3A, %dma_start3A_101, %dma_start3A_102] : memref<4x80x64xf32, #tpu.memory_space<vmem>> -> memref<1x80x64xf32, #tpu.memory_space<vmem>>
        %dma_start3A_104 = tpu.memref_squeeze %dma_start3A_103 : memref<1x80x64xf32, #tpu.memory_space<vmem>> -> memref<80x64xf32, #tpu.memory_space<vmem>>
        %dma_start3A_105 = arith.constant 0 : i32
        %dma_start3A_106 = tpu.memref_slice %arg13[%mul3A_99, %dma_start3A_105] : memref<10000x64xf32, #tpu.memory_space<vmem_shared>> -> memref<80x64xf32, #tpu.memory_space<vmem_shared>>
        %dma_start3A_107 = arith.constant 0 : i32
        %dma_start3A_108 = tpu.memref_slice %arg13[%mul3A_99, %dma_start3A_107] : memref<10000x64xf32, #tpu.memory_space<vmem_shared>> -> memref<80x64xf32, #tpu.memory_space<vmem_shared>>
        %dma_start3A_109 = arith.constant 0 : i32
        %dma_start3A_110 = arith.constant 0 : i32
        %dma_start3A_111 = tpu.memref_slice %arg11[%run_scoped3A, %dma_start3A_109, %dma_start3A_110] : memref<4x80x64xf32, #tpu.memory_space<vmem>> -> memref<1x80x64xf32, #tpu.memory_space<vmem>>
        %dma_start3A_112 = tpu.memref_squeeze %dma_start3A_111 : memref<1x80x64xf32, #tpu.memory_space<vmem>> -> memref<80x64xf32, #tpu.memory_space<vmem>>
        tpu.enqueue_dma source(%dma_start3A_112 : memref<80x64xf32, #tpu.memory_space<vmem>>) target(%dma_start3A_108 : memref<80x64xf32, #tpu.memory_space<vmem_shared>>) target_semaphore(%run_scoped3A_100 : memref<!tpu.dma_semaphore, #tpu.memory_space<semaphore_mem>>)
        %dma_wait3A_113 = arith.constant 0 : i32
        %dma_wait3A_114 = arith.constant 0 : i32
        %dma_wait3A_115 = tpu.memref_slice %arg11[%run_scoped3A, %dma_wait3A_113, %dma_wait3A_114] : memref<4x80x64xf32, #tpu.memory_space<vmem>> -> memref<1x80x64xf32, #tpu.memory_space<vmem>>
        %dma_wait3A_116 = tpu.memref_squeeze %dma_wait3A_115 : memref<1x80x64xf32, #tpu.memory_space<vmem>> -> memref<80x64xf32, #tpu.memory_space<vmem>>
        %dma_wait3A_117 = arith.constant 0 : i32
        %dma_wait3A_118 = tpu.memref_slice %arg13[%mul3A_99, %dma_wait3A_117] : memref<10000x64xf32, #tpu.memory_space<vmem_shared>> -> memref<80x64xf32, #tpu.memory_space<vmem_shared>>
        %dma_wait3A_119 = arith.constant 0 : i32
        %dma_wait3A_120 = tpu.memref_slice %arg13[%mul3A_99, %dma_wait3A_119] : memref<10000x64xf32, #tpu.memory_space<vmem_shared>> -> memref<80x64xf32, #tpu.memory_space<vmem_shared>>
        %dma_wait3A_121 = arith.constant 0 : i32
        %dma_wait3A_122 = arith.constant 0 : i32
        %dma_wait3A_123 = tpu.memref_slice %arg11[%run_scoped3A, %dma_wait3A_121, %dma_wait3A_122] : memref<4x80x64xf32, #tpu.memory_space<vmem>> -> memref<1x80x64xf32, #tpu.memory_space<vmem>>
        %dma_wait3A_124 = tpu.memref_squeeze %dma_wait3A_123 : memref<1x80x64xf32, #tpu.memory_space<vmem>> -> memref<80x64xf32, #tpu.memory_space<vmem>>
        tpu.wait_dma2 semaphore(%run_scoped3A_100 : memref<!tpu.dma_semaphore, #tpu.memory_space<semaphore_mem>>) src(%dma_wait3A_124 : memref<80x64xf32, #tpu.memory_space<vmem>>) dst(%dma_wait3A_120 : memref<80x64xf32, #tpu.memory_space<vmem_shared>>)
        tpu.yield
      }) : () -> ()
      "tpu.region"() ({
        %run_scoped3A_100 = tpu.sem_alloc : memref<!tpu.dma_semaphore, #tpu.memory_space<semaphore_mem>>
        %dma_start3A_101 = arith.constant 0 : i32
        %dma_start3A_102 = tpu.memref_slice %arg14[%mul3A_99, %dma_start3A_101] : memref<10000x8xf32, #tpu.memory_space<vmem_shared>> -> memref<80x8xf32, #tpu.memory_space<vmem_shared>>
        tpu.enqueue_dma source(%arg4 : memref<80x8xf32, #tpu.memory_space<hbm>>) target(%dma_start3A_102 : memref<80x8xf32, #tpu.memory_space<vmem_shared>>) target_semaphore(%run_scoped3A_100 : memref<!tpu.dma_semaphore, #tpu.memory_space<semaphore_mem>>)
        %dma_wait3A_103 = arith.constant 0 : i32
        %dma_wait3A_104 = tpu.memref_slice %arg14[%mul3A_99, %dma_wait3A_103] : memref<10000x8xf32, #tpu.memory_space<vmem_shared>> -> memref<80x8xf32, #tpu.memory_space<vmem_shared>>
        tpu.wait_dma2 semaphore(%run_scoped3A_100 : memref<!tpu.dma_semaphore, #tpu.memory_space<semaphore_mem>>) src(%arg4 : memref<80x8xf32, #tpu.memory_space<hbm>>) dst(%dma_wait3A_104 : memref<80x8xf32, #tpu.memory_space<vmem_shared>>)
        tpu.yield
      }) : () -> ()
    }
    %barrier3A = arith.constant 0 : index
    tpu.barrier barrier_id(%barrier3A)
    %dma_start3A = arith.constant 0 : i32
    %dma_start3A_43 = arith.constant 0 : i32
    %dma_start3A_44 = arith.constant 0 : i32
    %dma_start3A_45 = arith.constant 0 : i32
    %dma_start3A_46 = arith.constant 0 : i32
    %dma_start3A_47 = tpu.memref_slice %arg11[%dma_start3A_43, %dma_start3A_45, %dma_start3A_46] : memref<4x80x64xf32, #tpu.memory_space<vmem>> -> memref<1x80x64xf32, #tpu.memory_space<vmem>>
    %dma_start3A_48 = tpu.memref_squeeze %dma_start3A_47 : memref<1x80x64xf32, #tpu.memory_space<vmem>> -> memref<80x64xf32, #tpu.memory_space<vmem>>
    %dma_start3A_49 = arith.constant 0 : i32
    %dma_start3A_50 = tpu.memref_slice %arg9[%dma_start3A, %dma_start3A_49] : memref<250x80xi32, #tpu.memory_space<vmem>> -> memref<1x80xi32, #tpu.memory_space<vmem>>
    %dma_start3A_51 = tpu.memref_squeeze %dma_start3A_50 : memref<1x80xi32, #tpu.memory_space<vmem>> -> memref<80xi32, #tpu.memory_space<vmem>>
    %dma_start3A_52 = arith.constant 0 : i32
    %dma_start3A_53 = arith.constant 0 : i32
    %dma_start3A_54 = tpu.memref_slice %arg2[%dma_start3A_52, %dma_start3A_53] : memref<20000x64xf32, #tpu.memory_space<hbm>> -> memref<20000x64xf32, #tpu.memory_space<hbm>>
    %dma_start3A_55 = tpu.memref_slice %arg15[%dma_start3A_44] : memref<4x!tpu.dma_semaphore, #tpu.memory_space<semaphore_mem>> -> memref<1x!tpu.dma_semaphore, #tpu.memory_space<semaphore_mem>>
    %dma_start3A_56 = tpu.memref_squeeze %dma_start3A_55 : memref<1x!tpu.dma_semaphore, #tpu.memory_space<semaphore_mem>> -> memref<!tpu.dma_semaphore, #tpu.memory_space<semaphore_mem>>
    tpu.enqueue_indirect_dma source(%dma_start3A_54 : memref<20000x64xf32, #tpu.memory_space<hbm>>) target(%dma_start3A_48 : memref<80x64xf32, #tpu.memory_space<vmem>>) offsets(%dma_start3A_51 : memref<80xi32, #tpu.memory_space<vmem>>) semaphore(%dma_start3A_56 : memref<!tpu.dma_semaphore, #tpu.memory_space<semaphore_mem>>)
    %dma_start3A_57 = arith.constant 1 : i32
    %dma_start3A_58 = arith.constant 1 : i32
    %dma_start3A_59 = arith.constant 1 : i32
    %dma_start3A_60 = arith.constant 0 : i32
    %dma_start3A_61 = arith.constant 0 : i32
    %dma_start3A_62 = tpu.memref_slice %arg11[%dma_start3A_58, %dma_start3A_60, %dma_start3A_61] : memref<4x80x64xf32, #tpu.memory_space<vmem>> -> memref<1x80x64xf32, #tpu.memory_space<vmem>>
    %dma_start3A_63 = tpu.memref_squeeze %dma_start3A_62 : memref<1x80x64xf32, #tpu.memory_space<vmem>> -> memref<80x64xf32, #tpu.memory_space<vmem>>
    %dma_start3A_64 = arith.constant 0 : i32
    %dma_start3A_65 = tpu.memref_slice %arg9[%dma_start3A_57, %dma_start3A_64] : memref<250x80xi32, #tpu.memory_space<vmem>> -> memref<1x80xi32, #tpu.memory_space<vmem>>
    %dma_start3A_66 = tpu.memref_squeeze %dma_start3A_65 : memref<1x80xi32, #tpu.memory_space<vmem>> -> memref<80xi32, #tpu.memory_space<vmem>>
    %dma_start3A_67 = arith.constant 0 : i32
    %dma_start3A_68 = arith.constant 0 : i32
    %dma_start3A_69 = tpu.memref_slice %arg2[%dma_start3A_67, %dma_start3A_68] : memref<20000x64xf32, #tpu.memory_space<hbm>> -> memref<20000x64xf32, #tpu.memory_space<hbm>>
    %dma_start3A_70 = tpu.memref_slice %arg15[%dma_start3A_59] : memref<4x!tpu.dma_semaphore, #tpu.memory_space<semaphore_mem>> -> memref<1x!tpu.dma_semaphore, #tpu.memory_space<semaphore_mem>>
    %dma_start3A_71 = tpu.memref_squeeze %dma_start3A_70 : memref<1x!tpu.dma_semaphore, #tpu.memory_space<semaphore_mem>> -> memref<!tpu.dma_semaphore, #tpu.memory_space<semaphore_mem>>
    tpu.enqueue_indirect_dma source(%dma_start3A_69 : memref<20000x64xf32, #tpu.memory_space<hbm>>) target(%dma_start3A_63 : memref<80x64xf32, #tpu.memory_space<vmem>>) offsets(%dma_start3A_66 : memref<80xi32, #tpu.memory_space<vmem>>) semaphore(%dma_start3A_71 : memref<!tpu.dma_semaphore, #tpu.memory_space<semaphore_mem>>)
    %scan3A_72 = arith.constant 0 : i32
    %scan3A_73 = arith.constant 0 : i32
    %scan3A_74 = arith.constant 250 : i32
    %scan3A_75 = arith.addi %scan3A_73, %scan3A_74 : i32
    %scan3A_76 = arith.constant 1 : i32
    scf.for %scan3A_94 = %scan3A_73 to %scan3A_75 step %scan3A_76  : i32 {
      %rem3A_95 = arith.constant 4 : i32
      %rem3A_96 = arith.remsi %scan3A_94, %rem3A_95 : i32
      %add3A_97 = arith.constant 2 : i32
      %add3A_98 = arith.addi %scan3A_94, %add3A_97 : i32
      %lt3A_99 = arith.constant 250 : i32
      %lt3A_100 = arith.cmpi slt, %add3A_98, %lt3A_99 : i32
      %convert_element_type3A_101 = arith.extui %lt3A_100 : i1 to i32
      %cond3A_102 = arith.constant 0 : i32
      %cond3A_103 = arith.cmpi ne, %convert_element_type3A_101, %cond3A_102 : i32
      scf.if %cond3A_103 {
        %add3A_133 = arith.constant 2 : i32
        %add3A_134 = arith.addi %scan3A_94, %add3A_133 : i32
        %rem3A_135 = arith.constant 4 : i32
        %rem3A_136 = arith.remsi %add3A_134, %rem3A_135 : i32
        %ge3A = arith.constant 2 : i32
        %ge3A_137 = arith.cmpi sge, %scan3A_94, %ge3A : i32
        %convert_element_type3A_138 = arith.extui %ge3A_137 : i1 to i32
        %cond3A_139 = arith.constant 0 : i32
        %cond3A_140 = arith.cmpi ne, %convert_element_type3A_138, %cond3A_139 : i32
        scf.if %cond3A_140 {
          %sub3A_155 = arith.constant 2 : i32
          %sub3A_156 = arith.subi %scan3A_94, %sub3A_155 : i32
          %dma_wait3A_157 = arith.constant 0 : i32
          %dma_wait3A_158 = arith.constant 0 : i32
          %dma_wait3A_159 = tpu.memref_slice %arg11[%rem3A_136, %dma_wait3A_157, %dma_wait3A_158] : memref<4x80x64xf32, #tpu.memory_space<vmem>> -> memref<1x80x64xf32, #tpu.memory_space<vmem>>
          %dma_wait3A_160 = tpu.memref_squeeze %dma_wait3A_159 : memref<1x80x64xf32, #tpu.memory_space<vmem>> -> memref<80x64xf32, #tpu.memory_space<vmem>>
          %dma_wait3A_161 = arith.constant 0 : i32
          %dma_wait3A_162 = tpu.memref_slice %arg10[%sub3A_156, %dma_wait3A_161] : memref<250x80xi32, #tpu.memory_space<vmem>> -> memref<1x80xi32, #tpu.memory_space<vmem>>
          %dma_wait3A_163 = tpu.memref_squeeze %dma_wait3A_162 : memref<1x80xi32, #tpu.memory_space<vmem>> -> memref<80xi32, #tpu.memory_space<vmem>>
          %dma_wait3A_164 = arith.constant 0 : i32
          %dma_wait3A_165 = arith.constant 0 : i32
          %dma_wait3A_166 = tpu.memref_slice %arg13[%dma_wait3A_164, %dma_wait3A_165] : memref<10000x64xf32, #tpu.memory_space<vmem_shared>> -> memref<10000x64xf32, #tpu.memory_space<vmem_shared>>
          %dma_wait3A_167 = tpu.memref_slice %arg16[%rem3A_136] : memref<4x!tpu.dma_semaphore, #tpu.memory_space<semaphore_mem>> -> memref<1x!tpu.dma_semaphore, #tpu.memory_space<semaphore_mem>>
          %dma_wait3A_168 = tpu.memref_squeeze %dma_wait3A_167 : memref<1x!tpu.dma_semaphore, #tpu.memory_space<semaphore_mem>> -> memref<!tpu.dma_semaphore, #tpu.memory_space<semaphore_mem>>
          tpu.wait_indirect_dma semaphore(%dma_wait3A_168 : memref<!tpu.dma_semaphore, #tpu.memory_space<semaphore_mem>>) src(%dma_wait3A_160 : memref<80x64xf32, #tpu.memory_space<vmem>>) dst(%dma_wait3A_166 : memref<10000x64xf32, #tpu.memory_space<vmem_shared>>)
        } else {
        }
        %add3A_141 = arith.constant 2 : i32
        %add3A_142 = arith.addi %scan3A_94, %add3A_141 : i32
        %dma_start3A_143 = arith.constant 0 : i32
        %dma_start3A_144 = arith.constant 0 : i32
        %dma_start3A_145 = tpu.memref_slice %arg11[%rem3A_136, %dma_start3A_143, %dma_start3A_144] : memref<4x80x64xf32, #tpu.memory_space<vmem>> -> memref<1x80x64xf32, #tpu.memory_space<vmem>>
        %dma_start3A_146 = tpu.memref_squeeze %dma_start3A_145 : memref<1x80x64xf32, #tpu.memory_space<vmem>> -> memref<80x64xf32, #tpu.memory_space<vmem>>
        %dma_start3A_147 = arith.constant 0 : i32
        %dma_start3A_148 = tpu.memref_slice %arg9[%add3A_142, %dma_start3A_147] : memref<250x80xi32, #tpu.memory_space<vmem>> -> memref<1x80xi32, #tpu.memory_space<vmem>>
        %dma_start3A_149 = tpu.memref_squeeze %dma_start3A_148 : memref<1x80xi32, #tpu.memory_space<vmem>> -> memref<80xi32, #tpu.memory_space<vmem>>
        %dma_start3A_150 = arith.constant 0 : i32
        %dma_start3A_151 = arith.constant 0 : i32
        %dma_start3A_152 = tpu.memref_slice %arg2[%dma_start3A_150, %dma_start3A_151] : memref<20000x64xf32, #tpu.memory_space<hbm>> -> memref<20000x64xf32, #tpu.memory_space<hbm>>
        %dma_start3A_153 = tpu.memref_slice %arg15[%rem3A_136] : memref<4x!tpu.dma_semaphore, #tpu.memory_space<semaphore_mem>> -> memref<1x!tpu.dma_semaphore, #tpu.memory_space<semaphore_mem>>
        %dma_start3A_154 = tpu.memref_squeeze %dma_start3A_153 : memref<1x!tpu.dma_semaphore, #tpu.memory_space<semaphore_mem>> -> memref<!tpu.dma_semaphore, #tpu.memory_space<semaphore_mem>>
        tpu.enqueue_indirect_dma source(%dma_start3A_152 : memref<20000x64xf32, #tpu.memory_space<hbm>>) target(%dma_start3A_146 : memref<80x64xf32, #tpu.memory_space<vmem>>) offsets(%dma_start3A_149 : memref<80xi32, #tpu.memory_space<vmem>>) semaphore(%dma_start3A_154 : memref<!tpu.dma_semaphore, #tpu.memory_space<semaphore_mem>>)
      } else {
      }
      %dma_wait3A_104 = arith.constant 0 : i32
      %dma_wait3A_105 = arith.constant 0 : i32
      %dma_wait3A_106 = tpu.memref_slice %arg11[%rem3A_96, %dma_wait3A_104, %dma_wait3A_105] : memref<4x80x64xf32, #tpu.memory_space<vmem>> -> memref<1x80x64xf32, #tpu.memory_space<vmem>>
      %dma_wait3A_107 = tpu.memref_squeeze %dma_wait3A_106 : memref<1x80x64xf32, #tpu.memory_space<vmem>> -> memref<80x64xf32, #tpu.memory_space<vmem>>
      %dma_wait3A_108 = arith.constant 0 : i32
      %dma_wait3A_109 = tpu.memref_slice %arg9[%scan3A_94, %dma_wait3A_108] : memref<250x80xi32, #tpu.memory_space<vmem>> -> memref<1x80xi32, #tpu.memory_space<vmem>>
      %dma_wait3A_110 = tpu.memref_squeeze %dma_wait3A_109 : memref<1x80xi32, #tpu.memory_space<vmem>> -> memref<80xi32, #tpu.memory_space<vmem>>
      %dma_wait3A_111 = arith.constant 0 : i32
      %dma_wait3A_112 = arith.constant 0 : i32
      %dma_wait3A_113 = tpu.memref_slice %arg2[%dma_wait3A_111, %dma_wait3A_112] : memref<20000x64xf32, #tpu.memory_space<hbm>> -> memref<20000x64xf32, #tpu.memory_space<hbm>>
      %dma_wait3A_114 = tpu.memref_slice %arg15[%rem3A_96] : memref<4x!tpu.dma_semaphore, #tpu.memory_space<semaphore_mem>> -> memref<1x!tpu.dma_semaphore, #tpu.memory_space<semaphore_mem>>
      %dma_wait3A_115 = tpu.memref_squeeze %dma_wait3A_114 : memref<1x!tpu.dma_semaphore, #tpu.memory_space<semaphore_mem>> -> memref<!tpu.dma_semaphore, #tpu.memory_space<semaphore_mem>>
      tpu.wait_indirect_dma semaphore(%dma_wait3A_115 : memref<!tpu.dma_semaphore, #tpu.memory_space<semaphore_mem>>) src(%dma_wait3A_113 : memref<20000x64xf32, #tpu.memory_space<hbm>>) dst(%dma_wait3A_107 : memref<80x64xf32, #tpu.memory_space<vmem>>)
      %dma_start3A_116 = arith.constant 0 : i32
      %dma_start3A_117 = arith.constant 0 : i32
      %dma_start3A_118 = tpu.memref_slice %arg11[%rem3A_96, %dma_start3A_116, %dma_start3A_117] : memref<4x80x64xf32, #tpu.memory_space<vmem>> -> memref<1x80x64xf32, #tpu.memory_space<vmem>>
      %dma_start3A_119 = tpu.memref_squeeze %dma_start3A_118 : memref<1x80x64xf32, #tpu.memory_space<vmem>> -> memref<80x64xf32, #tpu.memory_space<vmem>>
      %dma_start3A_120 = arith.constant 0 : i32
      %dma_start3A_121 = tpu.memref_slice %arg10[%scan3A_94, %dma_start3A_120] : memref<250x80xi32, #tpu.memory_space<vmem>> -> memref<1x80xi32, #tpu.memory_space<vmem>>
      %dma_start3A_122 = tpu.memref_squeeze %dma_start3A_121 : memref<1x80xi32, #tpu.memory_space<vmem>> -> memref<80xi32, #tpu.memory_space<vmem>>
      %dma_start3A_123 = arith.constant 0 : i32
      %dma_start3A_124 = arith.constant 0 : i32
      %dma_start3A_125 = tpu.memref_slice %arg13[%dma_start3A_123, %dma_start3A_124] : memref<10000x64xf32, #tpu.memory_space<vmem_shared>> -> memref<10000x64xf32, #tpu.memory_space<vmem_shared>>
      %dma_start3A_126 = tpu.memref_slice %arg16[%rem3A_96] : memref<4x!tpu.dma_semaphore, #tpu.memory_space<semaphore_mem>> -> memref<1x!tpu.dma_semaphore, #tpu.memory_space<semaphore_mem>>
      %dma_start3A_127 = tpu.memref_squeeze %dma_start3A_126 : memref<1x!tpu.dma_semaphore, #tpu.memory_space<semaphore_mem>> -> memref<!tpu.dma_semaphore, #tpu.memory_space<semaphore_mem>>
      tpu.enqueue_indirect_dma source(%dma_start3A_119 : memref<80x64xf32, #tpu.memory_space<vmem>>) target(%dma_start3A_125 : memref<10000x64xf32, #tpu.memory_space<vmem_shared>>) offsets(%dma_start3A_122 : memref<80xi32, #tpu.memory_space<vmem>>) semaphore(%dma_start3A_127 : memref<!tpu.dma_semaphore, #tpu.memory_space<semaphore_mem>>) {add = true}
      %rem3A_128 = arith.constant 2 : i32
      %rem3A_129 = arith.remsi %scan3A_94, %rem3A_128 : i32
      %eq3A = arith.cmpi eq, %rem3A_129, %arg0 : i32
      %convert_element_type3A_130 = arith.extui %eq3A : i1 to i32
      %cond3A_131 = arith.constant 0 : i32
      %cond3A_132 = arith.cmpi ne, %convert_element_type3A_130, %cond3A_131 : i32
      scf.if %cond3A_132 {
        %dma_start3A_133 = arith.constant 0 : i32
        %dma_start3A_134 = tpu.memref_slice %arg10[%scan3A_94, %dma_start3A_133] : memref<250x80xi32, #tpu.memory_space<vmem>> -> memref<1x80xi32, #tpu.memory_space<vmem>>
        %dma_start3A_135 = tpu.memref_squeeze %dma_start3A_134 : memref<1x80xi32, #tpu.memory_space<vmem>> -> memref<80xi32, #tpu.memory_space<vmem>>
        %dma_start3A_136 = arith.constant 0 : i32
        %dma_start3A_137 = arith.constant 0 : i32
        %dma_start3A_138 = tpu.memref_slice %arg14[%dma_start3A_136, %dma_start3A_137] : memref<10000x8xf32, #tpu.memory_space<vmem_shared>> -> memref<10000x8xf32, #tpu.memory_space<vmem_shared>>
        tpu.enqueue_indirect_dma source(%arg12 : memref<80x8xf32, #tpu.memory_space<vmem>>) target(%dma_start3A_138 : memref<10000x8xf32, #tpu.memory_space<vmem_shared>>) offsets(%dma_start3A_135 : memref<80xi32, #tpu.memory_space<vmem>>) semaphore(%arg17 : memref<!tpu.dma_semaphore, #tpu.memory_space<semaphore_mem>>) {add = true}
        %ge3A = arith.constant 2 : i32
        %ge3A_139 = arith.cmpi sge, %scan3A_94, %ge3A : i32
        %convert_element_type3A_140 = arith.extui %ge3A_139 : i1 to i32
        %cond3A_141 = arith.constant 0 : i32
        %cond3A_142 = arith.cmpi ne, %convert_element_type3A_140, %cond3A_141 : i32
        scf.if %cond3A_142 {
          %sub3A_143 = arith.constant 2 : i32
          %sub3A_144 = arith.subi %scan3A_94, %sub3A_143 : i32
          %dma_wait3A_145 = arith.constant 0 : i32
          %dma_wait3A_146 = tpu.memref_slice %arg10[%sub3A_144, %dma_wait3A_145] : memref<250x80xi32, #tpu.memory_space<vmem>> -> memref<1x80xi32, #tpu.memory_space<vmem>>
          %dma_wait3A_147 = tpu.memref_squeeze %dma_wait3A_146 : memref<1x80xi32, #tpu.memory_space<vmem>> -> memref<80xi32, #tpu.memory_space<vmem>>
          %dma_wait3A_148 = arith.constant 0 : i32
          %dma_wait3A_149 = arith.constant 0 : i32
          %dma_wait3A_150 = tpu.memref_slice %arg14[%dma_wait3A_148, %dma_wait3A_149] : memref<10000x8xf32, #tpu.memory_space<vmem_shared>> -> memref<10000x8xf32, #tpu.memory_space<vmem_shared>>
          tpu.wait_indirect_dma semaphore(%arg17 : memref<!tpu.dma_semaphore, #tpu.memory_space<semaphore_mem>>) src(%arg12 : memref<80x8xf32, #tpu.memory_space<vmem>>) dst(%dma_wait3A_150 : memref<10000x8xf32, #tpu.memory_space<vmem_shared>>)
        } else {
        }
      } else {
      }
    }
    %scan3A_77 = arith.constant 250 : i32
    %scan3A_78 = arith.constant 0 : i32
    %scan3A_79 = arith.constant 0 : i32
    %scan3A_80 = arith.constant 4 : i32
    %scan3A_81 = arith.addi %scan3A_79, %scan3A_80 : i32
    %scan3A_82 = arith.constant 1 : i32
    scf.for %scan3A_94 = %scan3A_79 to %scan3A_81 step %scan3A_82  : i32 {
      %add3A_95 = arith.constant 246 : i32
      %add3A_96 = arith.addi %add3A_95, %scan3A_94 : i32
      %rem3A_97 = arith.constant 4 : i32
      %rem3A_98 = arith.remsi %add3A_96, %rem3A_97 : i32
      %rem3A_99 = arith.constant 4 : i32
      %rem3A_100 = arith.remsi %add3A_96, %rem3A_99 : i32
      %dma_wait3A_101 = arith.constant 0 : i32
      %dma_wait3A_102 = arith.constant 0 : i32
      %dma_wait3A_103 = tpu.memref_slice %arg11[%rem3A_98, %dma_wait3A_101, %dma_wait3A_102] : memref<4x80x64xf32, #tpu.memory_space<vmem>> -> memref<1x80x64xf32, #tpu.memory_space<vmem>>
      %dma_wait3A_104 = tpu.memref_squeeze %dma_wait3A_103 : memref<1x80x64xf32, #tpu.memory_space<vmem>> -> memref<80x64xf32, #tpu.memory_space<vmem>>
      %dma_wait3A_105 = arith.constant 0 : i32
      %dma_wait3A_106 = tpu.memref_slice %arg10[%add3A_96, %dma_wait3A_105] : memref<250x80xi32, #tpu.memory_space<vmem>> -> memref<1x80xi32, #tpu.memory_space<vmem>>
      %dma_wait3A_107 = tpu.memref_squeeze %dma_wait3A_106 : memref<1x80xi32, #tpu.memory_space<vmem>> -> memref<80xi32, #tpu.memory_space<vmem>>
      %dma_wait3A_108 = arith.constant 0 : i32
      %dma_wait3A_109 = arith.constant 0 : i32
      %dma_wait3A_110 = tpu.memref_slice %arg13[%dma_wait3A_108, %dma_wait3A_109] : memref<10000x64xf32, #tpu.memory_space<vmem_shared>> -> memref<10000x64xf32, #tpu.memory_space<vmem_shared>>
      %dma_wait3A_111 = tpu.memref_slice %arg16[%rem3A_100] : memref<4x!tpu.dma_semaphore, #tpu.memory_space<semaphore_mem>> -> memref<1x!tpu.dma_semaphore, #tpu.memory_space<semaphore_mem>>
      %dma_wait3A_112 = tpu.memref_squeeze %dma_wait3A_111 : memref<1x!tpu.dma_semaphore, #tpu.memory_space<semaphore_mem>> -> memref<!tpu.dma_semaphore, #tpu.memory_space<semaphore_mem>>
      tpu.wait_indirect_dma semaphore(%dma_wait3A_112 : memref<!tpu.dma_semaphore, #tpu.memory_space<semaphore_mem>>) src(%dma_wait3A_104 : memref<80x64xf32, #tpu.memory_space<vmem>>) dst(%dma_wait3A_110 : memref<10000x64xf32, #tpu.memory_space<vmem_shared>>)
    }
    %scan3A_83 = arith.constant 4 : i32
    %add3A_84 = arith.constant 248 : i32
    %add3A_85 = arith.addi %add3A_84, %arg0 : i32
    %dma_wait3A = arith.constant 0 : i32
    %dma_wait3A_86 = tpu.memref_slice %arg10[%add3A_85, %dma_wait3A] : memref<250x80xi32, #tpu.memory_space<vmem>> -> memref<1x80xi32, #tpu.memory_space<vmem>>
    %dma_wait3A_87 = tpu.memref_squeeze %dma_wait3A_86 : memref<1x80xi32, #tpu.memory_space<vmem>> -> memref<80xi32, #tpu.memory_space<vmem>>
    %dma_wait3A_88 = arith.constant 0 : i32
    %dma_wait3A_89 = arith.constant 0 : i32
    %dma_wait3A_90 = tpu.memref_slice %arg14[%dma_wait3A_88, %dma_wait3A_89] : memref<10000x8xf32, #tpu.memory_space<vmem_shared>> -> memref<10000x8xf32, #tpu.memory_space<vmem_shared>>
    tpu.wait_indirect_dma semaphore(%arg17 : memref<!tpu.dma_semaphore, #tpu.memory_space<semaphore_mem>>) src(%arg12 : memref<80x8xf32, #tpu.memory_space<vmem>>) dst(%dma_wait3A_90 : memref<10000x8xf32, #tpu.memory_space<vmem_shared>>)
    %barrier3A_91 = arith.constant 0 : index
    tpu.barrier barrier_id(%barrier3A_91)
    %lt3A = arith.constant 2 : i32
    %lt3A_92 = arith.cmpi slt, %arg1, %lt3A : i32
    %convert_element_type3A = arith.extui %lt3A_92 : i1 to i32
    %cond3A = arith.constant 0 : i32
    %cond3A_93 = arith.cmpi ne, %convert_element_type3A, %cond3A : i32
    scf.if %cond3A_93 {
      %mul3A_94 = arith.constant 5000 : i32
      %mul3A_95 = arith.muli %arg1, %mul3A_94 : i32
      "tpu.region"() ({
        %run_scoped3A = tpu.sem_alloc : memref<!tpu.dma_semaphore, #tpu.memory_space<semaphore_mem>>
        %dma_start3A_96 = arith.constant 0 : i32
        %dma_start3A_97 = tpu.memref_slice %arg6[%arg0, %mul3A_95, %dma_start3A_96] : memref<2x10000x64xf32, #tpu.memory_space<hbm>> -> memref<1x5000x64xf32, #tpu.memory_space<hbm>>
        %dma_start3A_98 = tpu.memref_squeeze %dma_start3A_97 : memref<1x5000x64xf32, #tpu.memory_space<hbm>> -> memref<5000x64xf32, #tpu.memory_space<hbm>>
        %dma_start3A_99 = arith.constant 0 : i32
        %dma_start3A_100 = tpu.memref_slice %arg13[%mul3A_95, %dma_start3A_99] : memref<10000x64xf32, #tpu.memory_space<vmem_shared>> -> memref<5000x64xf32, #tpu.memory_space<vmem_shared>>
        tpu.enqueue_dma source(%dma_start3A_100 : memref<5000x64xf32, #tpu.memory_space<vmem_shared>>) target(%dma_start3A_98 : memref<5000x64xf32, #tpu.memory_space<hbm>>) target_semaphore(%run_scoped3A : memref<!tpu.dma_semaphore, #tpu.memory_space<semaphore_mem>>)
        %dma_wait3A_101 = arith.constant 0 : i32
        %dma_wait3A_102 = tpu.memref_slice %arg6[%arg0, %mul3A_95, %dma_wait3A_101] : memref<2x10000x64xf32, #tpu.memory_space<hbm>> -> memref<1x5000x64xf32, #tpu.memory_space<hbm>>
        %dma_wait3A_103 = tpu.memref_squeeze %dma_wait3A_102 : memref<1x5000x64xf32, #tpu.memory_space<hbm>> -> memref<5000x64xf32, #tpu.memory_space<hbm>>
        %dma_wait3A_104 = arith.constant 0 : i32
        %dma_wait3A_105 = tpu.memref_slice %arg13[%mul3A_95, %dma_wait3A_104] : memref<10000x64xf32, #tpu.memory_space<vmem_shared>> -> memref<5000x64xf32, #tpu.memory_space<vmem_shared>>
        tpu.wait_dma2 semaphore(%run_scoped3A : memref<!tpu.dma_semaphore, #tpu.memory_space<semaphore_mem>>) src(%dma_wait3A_105 : memref<5000x64xf32, #tpu.memory_space<vmem_shared>>) dst(%dma_wait3A_103 : memref<5000x64xf32, #tpu.memory_space<hbm>>)
        tpu.yield
      }) : () -> ()
      "tpu.region"() ({
        %run_scoped3A = tpu.sem_alloc : memref<!tpu.dma_semaphore, #tpu.memory_space<semaphore_mem>>
        %dma_start3A_96 = arith.constant 0 : i32
        %dma_start3A_97 = tpu.memref_slice %arg7[%arg0, %mul3A_95, %dma_start3A_96] : memref<2x10000x8xf32, #tpu.memory_space<hbm>> -> memref<1x5000x8xf32, #tpu.memory_space<hbm>>
        %dma_start3A_98 = tpu.memref_squeeze %dma_start3A_97 : memref<1x5000x8xf32, #tpu.memory_space<hbm>> -> memref<5000x8xf32, #tpu.memory_space<hbm>>
        %dma_start3A_99 = arith.constant 0 : i32
        %dma_start3A_100 = tpu.memref_slice %arg14[%mul3A_95, %dma_start3A_99] : memref<10000x8xf32, #tpu.memory_space<vmem_shared>> -> memref<5000x8xf32, #tpu.memory_space<vmem_shared>>
        tpu.enqueue_dma source(%dma_start3A_100 : memref<5000x8xf32, #tpu.memory_space<vmem_shared>>) target(%dma_start3A_98 : memref<5000x8xf32, #tpu.memory_space<hbm>>) target_semaphore(%run_scoped3A : memref<!tpu.dma_semaphore, #tpu.memory_space<semaphore_mem>>)
        %dma_wait3A_101 = arith.constant 0 : i32
        %dma_wait3A_102 = tpu.memref_slice %arg7[%arg0, %mul3A_95, %dma_wait3A_101] : memref<2x10000x8xf32, #tpu.memory_space<hbm>> -> memref<1x5000x8xf32, #tpu.memory_space<hbm>>
        %dma_wait3A_103 = tpu.memref_squeeze %dma_wait3A_102 : memref<1x5000x8xf32, #tpu.memory_space<hbm>> -> memref<5000x8xf32, #tpu.memory_space<hbm>>
        %dma_wait3A_104 = arith.constant 0 : i32
        %dma_wait3A_105 = tpu.memref_slice %arg14[%mul3A_95, %dma_wait3A_104] : memref<10000x8xf32, #tpu.memory_space<vmem_shared>> -> memref<5000x8xf32, #tpu.memory_space<vmem_shared>>
        tpu.wait_dma2 semaphore(%run_scoped3A : memref<!tpu.dma_semaphore, #tpu.memory_space<semaphore_mem>>) src(%dma_wait3A_105 : memref<5000x8xf32, #tpu.memory_space<vmem_shared>>) dst(%dma_wait3A_103 : memref<5000x8xf32, #tpu.memory_space<hbm>>)
        tpu.yield
      }) : () -> ()
    } else {
    }
    return
  }
}

#map = affine_map<(d0, d1) -> (0, 0)>
#map1 = affine_map<(d0, d1) -> (0, 0, 0)>
module attributes {stable_mosaic.version = 14 : i64} {
  func.func @body(%arg0: i32, %arg1: i32, %arg2: memref<20000x64xf32, #tpu.memory_space<hbm>>, %arg3: memref<16x250x80xi32, #tpu.memory_space<hbm>>, %arg4: memref<80x8xf32, #tpu.memory_space<hbm>>, %arg5: memref<80x8xf32, #tpu.memory_space<hbm>>, %arg6: memref<2x10000x64xf32, #tpu.memory_space<hbm>>, %arg7: memref<250x80xi32, #tpu.memory_space<vmem>>, %arg8: memref<250x80xi32, #tpu.memory_space<vmem>>, %arg9: memref<250x80xi32, #tpu.memory_space<vmem>>, %arg10: memref<4x80x64xf32, #tpu.memory_space<vmem>>, %arg11: memref<80x8xf32, #tpu.memory_space<vmem>>, %arg12: memref<10000x64xf32, #tpu.memory_space<vmem_shared>>, %arg13: memref<10000x8xf32, #tpu.memory_space<vmem_shared>>, %arg14: memref<4x!tpu.dma_semaphore, #tpu.memory_space<semaphore_mem>>, %arg15: memref<4x!tpu.dma_semaphore, #tpu.memory_space<semaphore_mem>>, %arg16: memref<!tpu.dma_semaphore, #tpu.memory_space<semaphore_mem>>) attributes {dimension_semantics = [#tpu.dimension_semantics<core_parallel>, #tpu.dimension_semantics<subcore_parallel>], iteration_bounds = array<i64: 2, 16>, scalar_prefetch = 0 : i64, scratch_operands = 10 : i64, tpu.core_type = #tpu.core_type<sc_vector_subcore>, window_params = [{transform_indices = #map}, {transform_indices = #map1}, {transform_indices = #map}, {transform_indices = #map}, {transform_indices = #map1}]} {
    "tpu.region"() ({
      %run_scoped3A = tpu.sem_alloc : memref<!tpu.dma_semaphore, #tpu.memory_space<semaphore_mem>>
      %dma_start3A_87 = arith.constant 0 : i32
      %dma_start3A_88 = arith.constant 0 : i32
      %dma_start3A_89 = tpu.memref_slice %arg3[%arg1, %dma_start3A_87, %dma_start3A_88] : memref<16x250x80xi32, #tpu.memory_space<hbm>> -> memref<1x250x80xi32, #tpu.memory_space<hbm>>
      %dma_start3A_90 = tpu.memref_squeeze %dma_start3A_89 : memref<1x250x80xi32, #tpu.memory_space<hbm>> -> memref<250x80xi32, #tpu.memory_space<hbm>>
      %dma_start3A_91 = arith.constant 0 : i32
      %dma_start3A_92 = arith.constant 0 : i32
      %dma_start3A_93 = tpu.memref_slice %arg3[%arg1, %dma_start3A_91, %dma_start3A_92] : memref<16x250x80xi32, #tpu.memory_space<hbm>> -> memref<1x250x80xi32, #tpu.memory_space<hbm>>
      %dma_start3A_94 = tpu.memref_squeeze %dma_start3A_93 : memref<1x250x80xi32, #tpu.memory_space<hbm>> -> memref<250x80xi32, #tpu.memory_space<hbm>>
      tpu.enqueue_dma source(%dma_start3A_94 : memref<250x80xi32, #tpu.memory_space<hbm>>) target(%arg7 : memref<250x80xi32, #tpu.memory_space<vmem>>) target_semaphore(%run_scoped3A : memref<!tpu.dma_semaphore, #tpu.memory_space<semaphore_mem>>)
      %dma_wait3A = arith.constant 0 : i32
      %dma_wait3A_95 = arith.constant 0 : i32
      %dma_wait3A_96 = tpu.memref_slice %arg3[%arg1, %dma_wait3A, %dma_wait3A_95] : memref<16x250x80xi32, #tpu.memory_space<hbm>> -> memref<1x250x80xi32, #tpu.memory_space<hbm>>
      %dma_wait3A_97 = tpu.memref_squeeze %dma_wait3A_96 : memref<1x250x80xi32, #tpu.memory_space<hbm>> -> memref<250x80xi32, #tpu.memory_space<hbm>>
      %dma_wait3A_98 = arith.constant 0 : i32
      %dma_wait3A_99 = arith.constant 0 : i32
      %dma_wait3A_100 = tpu.memref_slice %arg3[%arg1, %dma_wait3A_98, %dma_wait3A_99] : memref<16x250x80xi32, #tpu.memory_space<hbm>> -> memref<1x250x80xi32, #tpu.memory_space<hbm>>
      %dma_wait3A_101 = tpu.memref_squeeze %dma_wait3A_100 : memref<1x250x80xi32, #tpu.memory_space<hbm>> -> memref<250x80xi32, #tpu.memory_space<hbm>>
      tpu.wait_dma2 semaphore(%run_scoped3A : memref<!tpu.dma_semaphore, #tpu.memory_space<semaphore_mem>>) src(%dma_wait3A_101 : memref<250x80xi32, #tpu.memory_space<hbm>>) dst(%arg7 : memref<250x80xi32, #tpu.memory_space<vmem>>)
      tpu.yield
    }) : () -> ()
    %mul3A = arith.constant 10000 : i32
    %mul3A_0 = arith.muli %arg0, %mul3A : i32
    %scan3A = arith.constant 0 : i32
    %scan3A_1 = arith.constant 0 : i32
    %scan3A_2 = arith.constant 250 : i32
    %scan3A_3 = arith.addi %scan3A_1, %scan3A_2 : i32
    %scan3A_4 = arith.constant 1 : i32
    scf.for %scan3A_87 = %scan3A_1 to %scan3A_3 step %scan3A_4  : i32 {
      %get3A = arith.index_cast %scan3A_87 : i32 to index
      %get3A_88 = arith.constant 0 : index
      %get3A_89 = tpu.vector_load %arg7[%get3A, %get3A_88] {strides = array<i32>} : memref<250x80xi32, #tpu.memory_space<vmem>>, vector<1x16xi32>,
      %get3A_90 = vector.shape_cast %get3A_89 : vector<1x16xi32> to vector<16xi32>
      %and3A_91 = arith.constant 65535 : i32
      %and3A_92 = vector.broadcast %and3A_91 : i32 to vector<16xi32>
      %and3A_93 = arith.andi %get3A_90, %and3A_92 : vector<16xi32>
      %add3A_94 = vector.broadcast %mul3A_0 : i32 to vector<16xi32>
      %add3A_95 = arith.addi %and3A_93, %add3A_94 : vector<16xi32>
      %swap3A = arith.index_cast %scan3A_87 : i32 to index
      %swap3A_96 = arith.constant 0 : index
      %swap3A_97 = tpu.vector_load %arg8[%swap3A, %swap3A_96] {strides = array<i32>} : memref<250x80xi32, #tpu.memory_space<vmem>>, vector<1x16xi32>,
      %swap3A_98 = vector.shape_cast %swap3A_97 : vector<1x16xi32> to vector<16xi32>
      %swap3A_99 = vector.shape_cast %add3A_95 : vector<16xi32> to vector<1x16xi32>
      tpu.vector_store %arg8[%swap3A, %swap3A_96], %swap3A_99 {strides = array<i32>} : memref<250x80xi32, #tpu.memory_space<vmem>>, vector<1x16xi32>,
      %shift_right_arithmetic3A = arith.constant 16 : i32
      %shift_right_arithmetic3A_100 = vector.broadcast %shift_right_arithmetic3A : i32 to vector<16xi32>
      %shift_right_arithmetic3A_101 = arith.shrsi %get3A_90, %shift_right_arithmetic3A_100 : vector<16xi32>
      %swap3A_102 = arith.index_cast %scan3A_87 : i32 to index
      %swap3A_103 = arith.constant 0 : index
      %swap3A_104 = tpu.vector_load %arg9[%swap3A_102, %swap3A_103] {strides = array<i32>} : memref<250x80xi32, #tpu.memory_space<vmem>>, vector<1x16xi32>,
      %swap3A_105 = vector.shape_cast %swap3A_104 : vector<1x16xi32> to vector<16xi32>
      %swap3A_106 = vector.shape_cast %shift_right_arithmetic3A_101 : vector<16xi32> to vector<1x16xi32>
      tpu.vector_store %arg9[%swap3A_102, %swap3A_103], %swap3A_106 {strides = array<i32>} : memref<250x80xi32, #tpu.memory_space<vmem>>, vector<1x16xi32>,
      %get3A_107 = arith.index_cast %scan3A_87 : i32 to index
      %get3A_108 = arith.constant 16 : index
      %get3A_109 = tpu.vector_load %arg7[%get3A_107, %get3A_108] {strides = array<i32>} : memref<250x80xi32, #tpu.memory_space<vmem>>, vector<1x16xi32>,
      %get3A_110 = vector.shape_cast %get3A_109 : vector<1x16xi32> to vector<16xi32>
      %and3A_111 = arith.constant 65535 : i32
      %and3A_112 = vector.broadcast %and3A_111 : i32 to vector<16xi32>
      %and3A_113 = arith.andi %get3A_110, %and3A_112 : vector<16xi32>
      %add3A_114 = vector.broadcast %mul3A_0 : i32 to vector<16xi32>
      %add3A_115 = arith.addi %and3A_113, %add3A_114 : vector<16xi32>
      %swap3A_116 = arith.index_cast %scan3A_87 : i32 to index
      %swap3A_117 = arith.constant 16 : index
      %swap3A_118 = tpu.vector_load %arg8[%swap3A_116, %swap3A_117] {strides = array<i32>} : memref<250x80xi32, #tpu.memory_space<vmem>>, vector<1x16xi32>,
      %swap3A_119 = vector.shape_cast %swap3A_118 : vector<1x16xi32> to vector<16xi32>
      %swap3A_120 = vector.shape_cast %add3A_115 : vector<16xi32> to vector<1x16xi32>
      tpu.vector_store %arg8[%swap3A_116, %swap3A_117], %swap3A_120 {strides = array<i32>} : memref<250x80xi32, #tpu.memory_space<vmem>>, vector<1x16xi32>,
      %shift_right_arithmetic3A_121 = arith.constant 16 : i32
      %shift_right_arithmetic3A_122 = vector.broadcast %shift_right_arithmetic3A_121 : i32 to vector<16xi32>
      %shift_right_arithmetic3A_123 = arith.shrsi %get3A_110, %shift_right_arithmetic3A_122 : vector<16xi32>
      %swap3A_124 = arith.index_cast %scan3A_87 : i32 to index
      %swap3A_125 = arith.constant 16 : index
      %swap3A_126 = tpu.vector_load %arg9[%swap3A_124, %swap3A_125] {strides = array<i32>} : memref<250x80xi32, #tpu.memory_space<vmem>>, vector<1x16xi32>,
      %swap3A_127 = vector.shape_cast %swap3A_126 : vector<1x16xi32> to vector<16xi32>
      %swap3A_128 = vector.shape_cast %shift_right_arithmetic3A_123 : vector<16xi32> to vector<1x16xi32>
      tpu.vector_store %arg9[%swap3A_124, %swap3A_125], %swap3A_128 {strides = array<i32>} : memref<250x80xi32, #tpu.memory_space<vmem>>, vector<1x16xi32>,
      %get3A_129 = arith.index_cast %scan3A_87 : i32 to index
      %get3A_130 = arith.constant 32 : index
      %get3A_131 = tpu.vector_load %arg7[%get3A_129, %get3A_130] {strides = array<i32>} : memref<250x80xi32, #tpu.memory_space<vmem>>, vector<1x16xi32>,
      %get3A_132 = vector.shape_cast %get3A_131 : vector<1x16xi32> to vector<16xi32>
      %and3A_133 = arith.constant 65535 : i32
      %and3A_134 = vector.broadcast %and3A_133 : i32 to vector<16xi32>
      %and3A_135 = arith.andi %get3A_132, %and3A_134 : vector<16xi32>
      %add3A_136 = vector.broadcast %mul3A_0 : i32 to vector<16xi32>
      %add3A_137 = arith.addi %and3A_135, %add3A_136 : vector<16xi32>
      %swap3A_138 = arith.index_cast %scan3A_87 : i32 to index
      %swap3A_139 = arith.constant 32 : index
      %swap3A_140 = tpu.vector_load %arg8[%swap3A_138, %swap3A_139] {strides = array<i32>} : memref<250x80xi32, #tpu.memory_space<vmem>>, vector<1x16xi32>,
      %swap3A_141 = vector.shape_cast %swap3A_140 : vector<1x16xi32> to vector<16xi32>
      %swap3A_142 = vector.shape_cast %add3A_137 : vector<16xi32> to vector<1x16xi32>
      tpu.vector_store %arg8[%swap3A_138, %swap3A_139], %swap3A_142 {strides = array<i32>} : memref<250x80xi32, #tpu.memory_space<vmem>>, vector<1x16xi32>,
      %shift_right_arithmetic3A_143 = arith.constant 16 : i32
      %shift_right_arithmetic3A_144 = vector.broadcast %shift_right_arithmetic3A_143 : i32 to vector<16xi32>
      %shift_right_arithmetic3A_145 = arith.shrsi %get3A_132, %shift_right_arithmetic3A_144 : vector<16xi32>
      %swap3A_146 = arith.index_cast %scan3A_87 : i32 to index
      %swap3A_147 = arith.constant 32 : index
      %swap3A_148 = tpu.vector_load %arg9[%swap3A_146, %swap3A_147] {strides = array<i32>} : memref<250x80xi32, #tpu.memory_space<vmem>>, vector<1x16xi32>,
      %swap3A_149 = vector.shape_cast %swap3A_148 : vector<1x16xi32> to vector<16xi32>
      %swap3A_150 = vector.shape_cast %shift_right_arithmetic3A_145 : vector<16xi32> to vector<1x16xi32>
      tpu.vector_store %arg9[%swap3A_146, %swap3A_147], %swap3A_150 {strides = array<i32>} : memref<250x80xi32, #tpu.memory_space<vmem>>, vector<1x16xi32>,
      %get3A_151 = arith.index_cast %scan3A_87 : i32 to index
      %get3A_152 = arith.constant 48 : index
      %get3A_153 = tpu.vector_load %arg7[%get3A_151, %get3A_152] {strides = array<i32>} : memref<250x80xi32, #tpu.memory_space<vmem>>, vector<1x16xi32>,
      %get3A_154 = vector.shape_cast %get3A_153 : vector<1x16xi32> to vector<16xi32>
      %and3A_155 = arith.constant 65535 : i32
      %and3A_156 = vector.broadcast %and3A_155 : i32 to vector<16xi32>
      %and3A_157 = arith.andi %get3A_154, %and3A_156 : vector<16xi32>
      %add3A_158 = vector.broadcast %mul3A_0 : i32 to vector<16xi32>
      %add3A_159 = arith.addi %and3A_157, %add3A_158 : vector<16xi32>
      %swap3A_160 = arith.index_cast %scan3A_87 : i32 to index
      %swap3A_161 = arith.constant 48 : index
      %swap3A_162 = tpu.vector_load %arg8[%swap3A_160, %swap3A_161] {strides = array<i32>} : memref<250x80xi32, #tpu.memory_space<vmem>>, vector<1x16xi32>,
      %swap3A_163 = vector.shape_cast %swap3A_162 : vector<1x16xi32> to vector<16xi32>
      %swap3A_164 = vector.shape_cast %add3A_159 : vector<16xi32> to vector<1x16xi32>
      tpu.vector_store %arg8[%swap3A_160, %swap3A_161], %swap3A_164 {strides = array<i32>} : memref<250x80xi32, #tpu.memory_space<vmem>>, vector<1x16xi32>,
      %shift_right_arithmetic3A_165 = arith.constant 16 : i32
      %shift_right_arithmetic3A_166 = vector.broadcast %shift_right_arithmetic3A_165 : i32 to vector<16xi32>
      %shift_right_arithmetic3A_167 = arith.shrsi %get3A_154, %shift_right_arithmetic3A_166 : vector<16xi32>
      %swap3A_168 = arith.index_cast %scan3A_87 : i32 to index
      %swap3A_169 = arith.constant 48 : index
      %swap3A_170 = tpu.vector_load %arg9[%swap3A_168, %swap3A_169] {strides = array<i32>} : memref<250x80xi32, #tpu.memory_space<vmem>>, vector<1x16xi32>,
      %swap3A_171 = vector.shape_cast %swap3A_170 : vector<1x16xi32> to vector<16xi32>
      %swap3A_172 = vector.shape_cast %shift_right_arithmetic3A_167 : vector<16xi32> to vector<1x16xi32>
      tpu.vector_store %arg9[%swap3A_168, %swap3A_169], %swap3A_172 {strides = array<i32>} : memref<250x80xi32, #tpu.memory_space<vmem>>, vector<1x16xi32>,
      %get3A_173 = arith.index_cast %scan3A_87 : i32 to index
      %get3A_174 = arith.constant 64 : index
      %get3A_175 = tpu.vector_load %arg7[%get3A_173, %get3A_174] {strides = array<i32>} : memref<250x80xi32, #tpu.memory_space<vmem>>, vector<1x16xi32>,
      %get3A_176 = vector.shape_cast %get3A_175 : vector<1x16xi32> to vector<16xi32>
      %and3A_177 = arith.constant 65535 : i32
      %and3A_178 = vector.broadcast %and3A_177 : i32 to vector<16xi32>
      %and3A_179 = arith.andi %get3A_176, %and3A_178 : vector<16xi32>
      %add3A_180 = vector.broadcast %mul3A_0 : i32 to vector<16xi32>
      %add3A_181 = arith.addi %and3A_179, %add3A_180 : vector<16xi32>
      %swap3A_182 = arith.index_cast %scan3A_87 : i32 to index
      %swap3A_183 = arith.constant 64 : index
      %swap3A_184 = tpu.vector_load %arg8[%swap3A_182, %swap3A_183] {strides = array<i32>} : memref<250x80xi32, #tpu.memory_space<vmem>>, vector<1x16xi32>,
      %swap3A_185 = vector.shape_cast %swap3A_184 : vector<1x16xi32> to vector<16xi32>
      %swap3A_186 = vector.shape_cast %add3A_181 : vector<16xi32> to vector<1x16xi32>
      tpu.vector_store %arg8[%swap3A_182, %swap3A_183], %swap3A_186 {strides = array<i32>} : memref<250x80xi32, #tpu.memory_space<vmem>>, vector<1x16xi32>,
      %shift_right_arithmetic3A_187 = arith.constant 16 : i32
      %shift_right_arithmetic3A_188 = vector.broadcast %shift_right_arithmetic3A_187 : i32 to vector<16xi32>
      %shift_right_arithmetic3A_189 = arith.shrsi %get3A_176, %shift_right_arithmetic3A_188 : vector<16xi32>
      %swap3A_190 = arith.index_cast %scan3A_87 : i32 to index
      %swap3A_191 = arith.constant 64 : index
      %swap3A_192 = tpu.vector_load %arg9[%swap3A_190, %swap3A_191] {strides = array<i32>} : memref<250x80xi32, #tpu.memory_space<vmem>>, vector<1x16xi32>,
      %swap3A_193 = vector.shape_cast %swap3A_192 : vector<1x16xi32> to vector<16xi32>
      %swap3A_194 = vector.shape_cast %shift_right_arithmetic3A_189 : vector<16xi32> to vector<1x16xi32>
      tpu.vector_store %arg9[%swap3A_190, %swap3A_191], %swap3A_194 {strides = array<i32>} : memref<250x80xi32, #tpu.memory_space<vmem>>, vector<1x16xi32>,
    }
    %scan3A_5 = arith.constant 250 : i32
    %broadcast_in_dim3A = arith.constant 0.000000e+00 : f32
    %broadcast_in_dim3A_6 = vector.broadcast %broadcast_in_dim3A : f32 to vector<16xf32>
    %scan3A_7 = arith.constant 0 : i32
    %scan3A_8 = arith.constant 0 : i32
    %scan3A_9 = arith.constant 80 : i32
    %scan3A_10 = arith.addi %scan3A_8, %scan3A_9 : i32
    %scan3A_11 = arith.constant 1 : i32
    scf.for %scan3A_87 = %scan3A_8 to %scan3A_10 step %scan3A_11  : i32 {
      %swap3A = arith.constant 0 : i32
      %swap3A_88 = arith.index_cast %swap3A : i32 to index
      %swap3A_89 = arith.index_cast %scan3A_87 : i32 to index
      %swap3A_90 = arith.constant 0 : index
      %swap3A_91 = tpu.vector_load %arg10[%swap3A_88, %swap3A_89, %swap3A_90] {strides = array<i32>} : memref<4x80x64xf32, #tpu.memory_space<vmem>>, vector<1x1x16xf32>,
      %swap3A_92 = vector.shape_cast %swap3A_91 : vector<1x1x16xf32> to vector<16xf32>
      %swap3A_93 = vector.shape_cast %broadcast_in_dim3A_6 : vector<16xf32> to vector<1x1x16xf32>
      tpu.vector_store %arg10[%swap3A_88, %swap3A_89, %swap3A_90], %swap3A_93 {strides = array<i32>} : memref<4x80x64xf32, #tpu.memory_space<vmem>>, vector<1x1x16xf32>,
      %swap3A_94 = arith.constant 0 : i32
      %swap3A_95 = arith.index_cast %swap3A_94 : i32 to index
      %swap3A_96 = arith.index_cast %scan3A_87 : i32 to index
      %swap3A_97 = arith.constant 16 : index
      %swap3A_98 = tpu.vector_load %arg10[%swap3A_95, %swap3A_96, %swap3A_97] {strides = array<i32>} : memref<4x80x64xf32, #tpu.memory_space<vmem>>, vector<1x1x16xf32>,
      %swap3A_99 = vector.shape_cast %swap3A_98 : vector<1x1x16xf32> to vector<16xf32>
      %swap3A_100 = vector.shape_cast %broadcast_in_dim3A_6 : vector<16xf32> to vector<1x1x16xf32>
      tpu.vector_store %arg10[%swap3A_95, %swap3A_96, %swap3A_97], %swap3A_100 {strides = array<i32>} : memref<4x80x64xf32, #tpu.memory_space<vmem>>, vector<1x1x16xf32>,
      %swap3A_101 = arith.constant 0 : i32
      %swap3A_102 = arith.index_cast %swap3A_101 : i32 to index
      %swap3A_103 = arith.index_cast %scan3A_87 : i32 to index
      %swap3A_104 = arith.constant 32 : index
      %swap3A_105 = tpu.vector_load %arg10[%swap3A_102, %swap3A_103, %swap3A_104] {strides = array<i32>} : memref<4x80x64xf32, #tpu.memory_space<vmem>>, vector<1x1x16xf32>,
      %swap3A_106 = vector.shape_cast %swap3A_105 : vector<1x1x16xf32> to vector<16xf32>
      %swap3A_107 = vector.shape_cast %broadcast_in_dim3A_6 : vector<16xf32> to vector<1x1x16xf32>
      tpu.vector_store %arg10[%swap3A_102, %swap3A_103, %swap3A_104], %swap3A_107 {strides = array<i32>} : memref<4x80x64xf32, #tpu.memory_space<vmem>>, vector<1x1x16xf32>,
      %swap3A_108 = arith.constant 0 : i32
      %swap3A_109 = arith.index_cast %swap3A_108 : i32 to index
      %swap3A_110 = arith.index_cast %scan3A_87 : i32 to index
      %swap3A_111 = arith.constant 48 : index
      %swap3A_112 = tpu.vector_load %arg10[%swap3A_109, %swap3A_110, %swap3A_111] {strides = array<i32>} : memref<4x80x64xf32, #tpu.memory_space<vmem>>, vector<1x1x16xf32>,
      %swap3A_113 = vector.shape_cast %swap3A_112 : vector<1x1x16xf32> to vector<16xf32>
      %swap3A_114 = vector.shape_cast %broadcast_in_dim3A_6 : vector<16xf32> to vector<1x1x16xf32>
      tpu.vector_store %arg10[%swap3A_109, %swap3A_110, %swap3A_111], %swap3A_114 {strides = array<i32>} : memref<4x80x64xf32, #tpu.memory_space<vmem>>, vector<1x1x16xf32>,
    }
    %scan3A_12 = arith.constant 80 : i32
    %sub3A = arith.constant 125 : i32
    %sub3A_13 = arith.subi %sub3A, %arg1 : i32
    %add3A = arith.constant 16 : i32
    %add3A_14 = arith.addi %sub3A_13, %add3A : i32
    %sub3A_15 = arith.constant 1 : i32
    %sub3A_16 = arith.subi %add3A_14, %sub3A_15 : i32
    %jit3A = arith.constant 16 : i32
    %div3A = arith.divsi %sub3A_16, %jit3A : i32
    %sign3A = arith.constant 0 : i32
    %sign3A_17 = arith.cmpi sgt, %sub3A_16, %sign3A : i32
    %sign3A_18 = arith.extui %sign3A_17 : i1 to i32
    %sign3A_19 = arith.constant 0 : i32
    %sign3A_20 = arith.cmpi slt, %sub3A_16, %sign3A_19 : i32
    %sign3A_21 = arith.extui %sign3A_20 : i1 to i32
    %sign3A_22 = arith.subi %sign3A_18, %sign3A_21 : i32
    %sign3A_23 = arith.constant 0 : i32
    %sign3A_24 = arith.cmpi sgt, %jit3A, %sign3A_23 : i32
    %sign3A_25 = arith.extui %sign3A_24 : i1 to i32
    %sign3A_26 = arith.constant 0 : i32
    %sign3A_27 = arith.cmpi slt, %jit3A, %sign3A_26 : i32
    %sign3A_28 = arith.extui %sign3A_27 : i1 to i32
    %sign3A_29 = arith.subi %sign3A_25, %sign3A_28 : i32
    %ne3A = arith.cmpi ne, %sign3A_22, %sign3A_29 : i32
    %rem3A = arith.remsi %sub3A_16, %jit3A : i32
    %ne3A_30 = arith.constant 0 : i32
    %ne3A_31 = arith.cmpi ne, %rem3A, %ne3A_30 : i32
    %and3A = arith.andi %ne3A, %ne3A_31 : i1
    %sub3A_32 = arith.constant 1 : i32
    %sub3A_33 = arith.subi %div3A, %sub3A_32 : i32
    %select_n3A = arith.select %and3A, %sub3A_33, %div3A : i32
    %while3A = arith.constant 0 : i32
    %while3A_34 = arith.constant 0 : i32
    %while3A_35 = arith.subi %select_n3A, %while3A_34 : i32
    %while3A_36 = arith.addi %while3A_34, %while3A_35 : i32
    %while3A_37 = arith.constant 1 : i32
    %while3A_38 = arith.divsi %while3A_35, %while3A_37 : i32
    %while3A_39 = arith.muli %while3A_38, %while3A_37 : i32
    %while3A_40 = arith.addi %while3A_34, %while3A_39 : i32
    %while3A_41 = arith.constant 1 : i32
    scf.for %while3A_87 = %while3A_34 to %while3A_40 step %while3A_41  : i32 {
      %mul3A_88 = arith.constant 16 : i32
      %mul3A_89 = arith.muli %while3A_87, %mul3A_88 : i32
      %add3A_90 = arith.addi %arg1, %mul3A_89 : i32
      %mul3A_91 = arith.constant 80 : i32
      %mul3A_92 = arith.muli %add3A_90, %mul3A_91 : i32
      %run_scoped3A = arith.constant 0 : i32
      "tpu.region"() ({
        %run_scoped3A_93 = tpu.sem_alloc : memref<!tpu.dma_semaphore, #tpu.memory_space<semaphore_mem>>
        %dma_start3A_94 = arith.constant 0 : i32
        %dma_start3A_95 = arith.constant 0 : i32
        %dma_start3A_96 = tpu.memref_slice %arg10[%run_scoped3A, %dma_start3A_94, %dma_start3A_95] : memref<4x80x64xf32, #tpu.memory_space<vmem>> -> memref<1x80x64xf32, #tpu.memory_space<vmem>>
        %dma_start3A_97 = tpu.memref_squeeze %dma_start3A_96 : memref<1x80x64xf32, #tpu.memory_space<vmem>> -> memref<80x64xf32, #tpu.memory_space<vmem>>
        %dma_start3A_98 = arith.constant 0 : i32
        %dma_start3A_99 = tpu.memref_slice %arg12[%mul3A_92, %dma_start3A_98] : memref<10000x64xf32, #tpu.memory_space<vmem_shared>> -> memref<80x64xf32, #tpu.memory_space<vmem_shared>>
        %dma_start3A_100 = arith.constant 0 : i32
        %dma_start3A_101 = tpu.memref_slice %arg12[%mul3A_92, %dma_start3A_100] : memref<10000x64xf32, #tpu.memory_space<vmem_shared>> -> memref<80x64xf32, #tpu.memory_space<vmem_shared>>
        %dma_start3A_102 = arith.constant 0 : i32
        %dma_start3A_103 = arith.constant 0 : i32
        %dma_start3A_104 = tpu.memref_slice %arg10[%run_scoped3A, %dma_start3A_102, %dma_start3A_103] : memref<4x80x64xf32, #tpu.memory_space<vmem>> -> memref<1x80x64xf32, #tpu.memory_space<vmem>>
        %dma_start3A_105 = tpu.memref_squeeze %dma_start3A_104 : memref<1x80x64xf32, #tpu.memory_space<vmem>> -> memref<80x64xf32, #tpu.memory_space<vmem>>
        tpu.enqueue_dma source(%dma_start3A_105 : memref<80x64xf32, #tpu.memory_space<vmem>>) target(%dma_start3A_101 : memref<80x64xf32, #tpu.memory_space<vmem_shared>>) target_semaphore(%run_scoped3A_93 : memref<!tpu.dma_semaphore, #tpu.memory_space<semaphore_mem>>)
        %dma_wait3A = arith.constant 0 : i32
        %dma_wait3A_106 = arith.constant 0 : i32
        %dma_wait3A_107 = tpu.memref_slice %arg10[%run_scoped3A, %dma_wait3A, %dma_wait3A_106] : memref<4x80x64xf32, #tpu.memory_space<vmem>> -> memref<1x80x64xf32, #tpu.memory_space<vmem>>
        %dma_wait3A_108 = tpu.memref_squeeze %dma_wait3A_107 : memref<1x80x64xf32, #tpu.memory_space<vmem>> -> memref<80x64xf32, #tpu.memory_space<vmem>>
        %dma_wait3A_109 = arith.constant 0 : i32
        %dma_wait3A_110 = tpu.memref_slice %arg12[%mul3A_92, %dma_wait3A_109] : memref<10000x64xf32, #tpu.memory_space<vmem_shared>> -> memref<80x64xf32, #tpu.memory_space<vmem_shared>>
        %dma_wait3A_111 = arith.constant 0 : i32
        %dma_wait3A_112 = tpu.memref_slice %arg12[%mul3A_92, %dma_wait3A_111] : memref<10000x64xf32, #tpu.memory_space<vmem_shared>> -> memref<80x64xf32, #tpu.memory_space<vmem_shared>>
        %dma_wait3A_113 = arith.constant 0 : i32
        %dma_wait3A_114 = arith.constant 0 : i32
        %dma_wait3A_115 = tpu.memref_slice %arg10[%run_scoped3A, %dma_wait3A_113, %dma_wait3A_114] : memref<4x80x64xf32, #tpu.memory_space<vmem>> -> memref<1x80x64xf32, #tpu.memory_space<vmem>>
        %dma_wait3A_116 = tpu.memref_squeeze %dma_wait3A_115 : memref<1x80x64xf32, #tpu.memory_space<vmem>> -> memref<80x64xf32, #tpu.memory_space<vmem>>
        tpu.wait_dma2 semaphore(%run_scoped3A_93 : memref<!tpu.dma_semaphore, #tpu.memory_space<semaphore_mem>>) src(%dma_wait3A_116 : memref<80x64xf32, #tpu.memory_space<vmem>>) dst(%dma_wait3A_112 : memref<80x64xf32, #tpu.memory_space<vmem_shared>>)
        tpu.yield
      }) : () -> ()
    }
    %while3A_42 = arith.constant 1 : i32
    scf.for %while3A_87 = %while3A_40 to %while3A_36 step %while3A_42  : i32 {
      %mul3A_88 = arith.constant 16 : i32
      %mul3A_89 = arith.muli %while3A_87, %mul3A_88 : i32
      %add3A_90 = arith.addi %arg1, %mul3A_89 : i32
      %mul3A_91 = arith.constant 80 : i32
      %mul3A_92 = arith.muli %add3A_90, %mul3A_91 : i32
      %run_scoped3A = arith.constant 0 : i32
      "tpu.region"() ({
        %run_scoped3A_93 = tpu.sem_alloc : memref<!tpu.dma_semaphore, #tpu.memory_space<semaphore_mem>>
        %dma_start3A_94 = arith.constant 0 : i32
        %dma_start3A_95 = arith.constant 0 : i32
        %dma_start3A_96 = tpu.memref_slice %arg10[%run_scoped3A, %dma_start3A_94, %dma_start3A_95] : memref<4x80x64xf32, #tpu.memory_space<vmem>> -> memref<1x80x64xf32, #tpu.memory_space<vmem>>
        %dma_start3A_97 = tpu.memref_squeeze %dma_start3A_96 : memref<1x80x64xf32, #tpu.memory_space<vmem>> -> memref<80x64xf32, #tpu.memory_space<vmem>>
        %dma_start3A_98 = arith.constant 0 : i32
        %dma_start3A_99 = tpu.memref_slice %arg12[%mul3A_92, %dma_start3A_98] : memref<10000x64xf32, #tpu.memory_space<vmem_shared>> -> memref<80x64xf32, #tpu.memory_space<vmem_shared>>
        %dma_start3A_100 = arith.constant 0 : i32
        %dma_start3A_101 = tpu.memref_slice %arg12[%mul3A_92, %dma_start3A_100] : memref<10000x64xf32, #tpu.memory_space<vmem_shared>> -> memref<80x64xf32, #tpu.memory_space<vmem_shared>>
        %dma_start3A_102 = arith.constant 0 : i32
        %dma_start3A_103 = arith.constant 0 : i32
        %dma_start3A_104 = tpu.memref_slice %arg10[%run_scoped3A, %dma_start3A_102, %dma_start3A_103] : memref<4x80x64xf32, #tpu.memory_space<vmem>> -> memref<1x80x64xf32, #tpu.memory_space<vmem>>
        %dma_start3A_105 = tpu.memref_squeeze %dma_start3A_104 : memref<1x80x64xf32, #tpu.memory_space<vmem>> -> memref<80x64xf32, #tpu.memory_space<vmem>>
        tpu.enqueue_dma source(%dma_start3A_105 : memref<80x64xf32, #tpu.memory_space<vmem>>) target(%dma_start3A_101 : memref<80x64xf32, #tpu.memory_space<vmem_shared>>) target_semaphore(%run_scoped3A_93 : memref<!tpu.dma_semaphore, #tpu.memory_space<semaphore_mem>>)
        %dma_wait3A = arith.constant 0 : i32
        %dma_wait3A_106 = arith.constant 0 : i32
        %dma_wait3A_107 = tpu.memref_slice %arg10[%run_scoped3A, %dma_wait3A, %dma_wait3A_106] : memref<4x80x64xf32, #tpu.memory_space<vmem>> -> memref<1x80x64xf32, #tpu.memory_space<vmem>>
        %dma_wait3A_108 = tpu.memref_squeeze %dma_wait3A_107 : memref<1x80x64xf32, #tpu.memory_space<vmem>> -> memref<80x64xf32, #tpu.memory_space<vmem>>
        %dma_wait3A_109 = arith.constant 0 : i32
        %dma_wait3A_110 = tpu.memref_slice %arg12[%mul3A_92, %dma_wait3A_109] : memref<10000x64xf32, #tpu.memory_space<vmem_shared>> -> memref<80x64xf32, #tpu.memory_space<vmem_shared>>
        %dma_wait3A_111 = arith.constant 0 : i32
        %dma_wait3A_112 = tpu.memref_slice %arg12[%mul3A_92, %dma_wait3A_111] : memref<10000x64xf32, #tpu.memory_space<vmem_shared>> -> memref<80x64xf32, #tpu.memory_space<vmem_shared>>
        %dma_wait3A_113 = arith.constant 0 : i32
        %dma_wait3A_114 = arith.constant 0 : i32
        %dma_wait3A_115 = tpu.memref_slice %arg10[%run_scoped3A, %dma_wait3A_113, %dma_wait3A_114] : memref<4x80x64xf32, #tpu.memory_space<vmem>> -> memref<1x80x64xf32, #tpu.memory_space<vmem>>
        %dma_wait3A_116 = tpu.memref_squeeze %dma_wait3A_115 : memref<1x80x64xf32, #tpu.memory_space<vmem>> -> memref<80x64xf32, #tpu.memory_space<vmem>>
        tpu.wait_dma2 semaphore(%run_scoped3A_93 : memref<!tpu.dma_semaphore, #tpu.memory_space<semaphore_mem>>) src(%dma_wait3A_116 : memref<80x64xf32, #tpu.memory_space<vmem>>) dst(%dma_wait3A_112 : memref<80x64xf32, #tpu.memory_space<vmem_shared>>)
        tpu.yield
      }) : () -> ()
    }
    %barrier3A = arith.constant 0 : index
    tpu.barrier barrier_id(%barrier3A)
    %dma_start3A = arith.constant 0 : i32
    %dma_start3A_43 = arith.constant 0 : i32
    %dma_start3A_44 = arith.constant 0 : i32
    %dma_start3A_45 = arith.constant 0 : i32
    %dma_start3A_46 = arith.constant 0 : i32
    %dma_start3A_47 = tpu.memref_slice %arg10[%dma_start3A_43, %dma_start3A_45, %dma_start3A_46] : memref<4x80x64xf32, #tpu.memory_space<vmem>> -> memref<1x80x64xf32, #tpu.memory_space<vmem>>
    %dma_start3A_48 = tpu.memref_squeeze %dma_start3A_47 : memref<1x80x64xf32, #tpu.memory_space<vmem>> -> memref<80x64xf32, #tpu.memory_space<vmem>>
    %dma_start3A_49 = arith.constant 0 : i32
    %dma_start3A_50 = tpu.memref_slice %arg8[%dma_start3A, %dma_start3A_49] : memref<250x80xi32, #tpu.memory_space<vmem>> -> memref<1x80xi32, #tpu.memory_space<vmem>>
    %dma_start3A_51 = tpu.memref_squeeze %dma_start3A_50 : memref<1x80xi32, #tpu.memory_space<vmem>> -> memref<80xi32, #tpu.memory_space<vmem>>
    %dma_start3A_52 = arith.constant 0 : i32
    %dma_start3A_53 = arith.constant 0 : i32
    %dma_start3A_54 = tpu.memref_slice %arg2[%dma_start3A_52, %dma_start3A_53] : memref<20000x64xf32, #tpu.memory_space<hbm>> -> memref<20000x64xf32, #tpu.memory_space<hbm>>
    %dma_start3A_55 = tpu.memref_slice %arg14[%dma_start3A_44] : memref<4x!tpu.dma_semaphore, #tpu.memory_space<semaphore_mem>> -> memref<1x!tpu.dma_semaphore, #tpu.memory_space<semaphore_mem>>
    %dma_start3A_56 = tpu.memref_squeeze %dma_start3A_55 : memref<1x!tpu.dma_semaphore, #tpu.memory_space<semaphore_mem>> -> memref<!tpu.dma_semaphore, #tpu.memory_space<semaphore_mem>>
    tpu.enqueue_indirect_dma source(%dma_start3A_54 : memref<20000x64xf32, #tpu.memory_space<hbm>>) target(%dma_start3A_48 : memref<80x64xf32, #tpu.memory_space<vmem>>) offsets(%dma_start3A_51 : memref<80xi32, #tpu.memory_space<vmem>>) semaphore(%dma_start3A_56 : memref<!tpu.dma_semaphore, #tpu.memory_space<semaphore_mem>>)
    %dma_start3A_57 = arith.constant 1 : i32
    %dma_start3A_58 = arith.constant 1 : i32
    %dma_start3A_59 = arith.constant 1 : i32
    %dma_start3A_60 = arith.constant 0 : i32
    %dma_start3A_61 = arith.constant 0 : i32
    %dma_start3A_62 = tpu.memref_slice %arg10[%dma_start3A_58, %dma_start3A_60, %dma_start3A_61] : memref<4x80x64xf32, #tpu.memory_space<vmem>> -> memref<1x80x64xf32, #tpu.memory_space<vmem>>
    %dma_start3A_63 = tpu.memref_squeeze %dma_start3A_62 : memref<1x80x64xf32, #tpu.memory_space<vmem>> -> memref<80x64xf32, #tpu.memory_space<vmem>>
    %dma_start3A_64 = arith.constant 0 : i32
    %dma_start3A_65 = tpu.memref_slice %arg8[%dma_start3A_57, %dma_start3A_64] : memref<250x80xi32, #tpu.memory_space<vmem>> -> memref<1x80xi32, #tpu.memory_space<vmem>>
    %dma_start3A_66 = tpu.memref_squeeze %dma_start3A_65 : memref<1x80xi32, #tpu.memory_space<vmem>> -> memref<80xi32, #tpu.memory_space<vmem>>
    %dma_start3A_67 = arith.constant 0 : i32
    %dma_start3A_68 = arith.constant 0 : i32
    %dma_start3A_69 = tpu.memref_slice %arg2[%dma_start3A_67, %dma_start3A_68] : memref<20000x64xf32, #tpu.memory_space<hbm>> -> memref<20000x64xf32, #tpu.memory_space<hbm>>
    %dma_start3A_70 = tpu.memref_slice %arg14[%dma_start3A_59] : memref<4x!tpu.dma_semaphore, #tpu.memory_space<semaphore_mem>> -> memref<1x!tpu.dma_semaphore, #tpu.memory_space<semaphore_mem>>
    %dma_start3A_71 = tpu.memref_squeeze %dma_start3A_70 : memref<1x!tpu.dma_semaphore, #tpu.memory_space<semaphore_mem>> -> memref<!tpu.dma_semaphore, #tpu.memory_space<semaphore_mem>>
    tpu.enqueue_indirect_dma source(%dma_start3A_69 : memref<20000x64xf32, #tpu.memory_space<hbm>>) target(%dma_start3A_63 : memref<80x64xf32, #tpu.memory_space<vmem>>) offsets(%dma_start3A_66 : memref<80xi32, #tpu.memory_space<vmem>>) semaphore(%dma_start3A_71 : memref<!tpu.dma_semaphore, #tpu.memory_space<semaphore_mem>>)
    %scan3A_72 = arith.constant 0 : i32
    %scan3A_73 = arith.constant 0 : i32
    %scan3A_74 = arith.constant 250 : i32
    %scan3A_75 = arith.addi %scan3A_73, %scan3A_74 : i32
    %scan3A_76 = arith.constant 1 : i32
    scf.for %scan3A_87 = %scan3A_73 to %scan3A_75 step %scan3A_76  : i32 {
      %rem3A_88 = arith.constant 4 : i32
      %rem3A_89 = arith.remsi %scan3A_87, %rem3A_88 : i32
      %add3A_90 = arith.constant 2 : i32
      %add3A_91 = arith.addi %scan3A_87, %add3A_90 : i32
      %lt3A_92 = arith.constant 250 : i32
      %lt3A_93 = arith.cmpi slt, %add3A_91, %lt3A_92 : i32
      %convert_element_type3A_94 = arith.extui %lt3A_93 : i1 to i32
      %cond3A_95 = arith.constant 0 : i32
      %cond3A_96 = arith.cmpi ne, %convert_element_type3A_94, %cond3A_95 : i32
      scf.if %cond3A_96 {
        %add3A_120 = arith.constant 2 : i32
        %add3A_121 = arith.addi %scan3A_87, %add3A_120 : i32
        %rem3A_122 = arith.constant 4 : i32
        %rem3A_123 = arith.remsi %add3A_121, %rem3A_122 : i32
        %ge3A = arith.constant 2 : i32
        %ge3A_124 = arith.cmpi sge, %scan3A_87, %ge3A : i32
        %convert_element_type3A_125 = arith.extui %ge3A_124 : i1 to i32
        %cond3A_126 = arith.constant 0 : i32
        %cond3A_127 = arith.cmpi ne, %convert_element_type3A_125, %cond3A_126 : i32
        scf.if %cond3A_127 {
          %sub3A_142 = arith.constant 2 : i32
          %sub3A_143 = arith.subi %scan3A_87, %sub3A_142 : i32
          %dma_wait3A_144 = arith.constant 0 : i32
          %dma_wait3A_145 = arith.constant 0 : i32
          %dma_wait3A_146 = tpu.memref_slice %arg10[%rem3A_123, %dma_wait3A_144, %dma_wait3A_145] : memref<4x80x64xf32, #tpu.memory_space<vmem>> -> memref<1x80x64xf32, #tpu.memory_space<vmem>>
          %dma_wait3A_147 = tpu.memref_squeeze %dma_wait3A_146 : memref<1x80x64xf32, #tpu.memory_space<vmem>> -> memref<80x64xf32, #tpu.memory_space<vmem>>
          %dma_wait3A_148 = arith.constant 0 : i32
          %dma_wait3A_149 = tpu.memref_slice %arg9[%sub3A_143, %dma_wait3A_148] : memref<250x80xi32, #tpu.memory_space<vmem>> -> memref<1x80xi32, #tpu.memory_space<vmem>>
          %dma_wait3A_150 = tpu.memref_squeeze %dma_wait3A_149 : memref<1x80xi32, #tpu.memory_space<vmem>> -> memref<80xi32, #tpu.memory_space<vmem>>
          %dma_wait3A_151 = arith.constant 0 : i32
          %dma_wait3A_152 = arith.constant 0 : i32
          %dma_wait3A_153 = tpu.memref_slice %arg12[%dma_wait3A_151, %dma_wait3A_152] : memref<10000x64xf32, #tpu.memory_space<vmem_shared>> -> memref<10000x64xf32, #tpu.memory_space<vmem_shared>>
          %dma_wait3A_154 = tpu.memref_slice %arg15[%rem3A_123] : memref<4x!tpu.dma_semaphore, #tpu.memory_space<semaphore_mem>> -> memref<1x!tpu.dma_semaphore, #tpu.memory_space<semaphore_mem>>
          %dma_wait3A_155 = tpu.memref_squeeze %dma_wait3A_154 : memref<1x!tpu.dma_semaphore, #tpu.memory_space<semaphore_mem>> -> memref<!tpu.dma_semaphore, #tpu.memory_space<semaphore_mem>>
          tpu.wait_indirect_dma semaphore(%dma_wait3A_155 : memref<!tpu.dma_semaphore, #tpu.memory_space<semaphore_mem>>) src(%dma_wait3A_147 : memref<80x64xf32, #tpu.memory_space<vmem>>) dst(%dma_wait3A_153 : memref<10000x64xf32, #tpu.memory_space<vmem_shared>>)
        } else {
        }
        %add3A_128 = arith.constant 2 : i32
        %add3A_129 = arith.addi %scan3A_87, %add3A_128 : i32
        %dma_start3A_130 = arith.constant 0 : i32
        %dma_start3A_131 = arith.constant 0 : i32
        %dma_start3A_132 = tpu.memref_slice %arg10[%rem3A_123, %dma_start3A_130, %dma_start3A_131] : memref<4x80x64xf32, #tpu.memory_space<vmem>> -> memref<1x80x64xf32, #tpu.memory_space<vmem>>
        %dma_start3A_133 = tpu.memref_squeeze %dma_start3A_132 : memref<1x80x64xf32, #tpu.memory_space<vmem>> -> memref<80x64xf32, #tpu.memory_space<vmem>>
        %dma_start3A_134 = arith.constant 0 : i32
        %dma_start3A_135 = tpu.memref_slice %arg8[%add3A_129, %dma_start3A_134] : memref<250x80xi32, #tpu.memory_space<vmem>> -> memref<1x80xi32, #tpu.memory_space<vmem>>
        %dma_start3A_136 = tpu.memref_squeeze %dma_start3A_135 : memref<1x80xi32, #tpu.memory_space<vmem>> -> memref<80xi32, #tpu.memory_space<vmem>>
        %dma_start3A_137 = arith.constant 0 : i32
        %dma_start3A_138 = arith.constant 0 : i32
        %dma_start3A_139 = tpu.memref_slice %arg2[%dma_start3A_137, %dma_start3A_138] : memref<20000x64xf32, #tpu.memory_space<hbm>> -> memref<20000x64xf32, #tpu.memory_space<hbm>>
        %dma_start3A_140 = tpu.memref_slice %arg14[%rem3A_123] : memref<4x!tpu.dma_semaphore, #tpu.memory_space<semaphore_mem>> -> memref<1x!tpu.dma_semaphore, #tpu.memory_space<semaphore_mem>>
        %dma_start3A_141 = tpu.memref_squeeze %dma_start3A_140 : memref<1x!tpu.dma_semaphore, #tpu.memory_space<semaphore_mem>> -> memref<!tpu.dma_semaphore, #tpu.memory_space<semaphore_mem>>
        tpu.enqueue_indirect_dma source(%dma_start3A_139 : memref<20000x64xf32, #tpu.memory_space<hbm>>) target(%dma_start3A_133 : memref<80x64xf32, #tpu.memory_space<vmem>>) offsets(%dma_start3A_136 : memref<80xi32, #tpu.memory_space<vmem>>) semaphore(%dma_start3A_141 : memref<!tpu.dma_semaphore, #tpu.memory_space<semaphore_mem>>)
      } else {
      }
      %dma_wait3A = arith.constant 0 : i32
      %dma_wait3A_97 = arith.constant 0 : i32
      %dma_wait3A_98 = tpu.memref_slice %arg10[%rem3A_89, %dma_wait3A, %dma_wait3A_97] : memref<4x80x64xf32, #tpu.memory_space<vmem>> -> memref<1x80x64xf32, #tpu.memory_space<vmem>>
      %dma_wait3A_99 = tpu.memref_squeeze %dma_wait3A_98 : memref<1x80x64xf32, #tpu.memory_space<vmem>> -> memref<80x64xf32, #tpu.memory_space<vmem>>
      %dma_wait3A_100 = arith.constant 0 : i32
      %dma_wait3A_101 = tpu.memref_slice %arg8[%scan3A_87, %dma_wait3A_100] : memref<250x80xi32, #tpu.memory_space<vmem>> -> memref<1x80xi32, #tpu.memory_space<vmem>>
      %dma_wait3A_102 = tpu.memref_squeeze %dma_wait3A_101 : memref<1x80xi32, #tpu.memory_space<vmem>> -> memref<80xi32, #tpu.memory_space<vmem>>
      %dma_wait3A_103 = arith.constant 0 : i32
      %dma_wait3A_104 = arith.constant 0 : i32
      %dma_wait3A_105 = tpu.memref_slice %arg2[%dma_wait3A_103, %dma_wait3A_104] : memref<20000x64xf32, #tpu.memory_space<hbm>> -> memref<20000x64xf32, #tpu.memory_space<hbm>>
      %dma_wait3A_106 = tpu.memref_slice %arg14[%rem3A_89] : memref<4x!tpu.dma_semaphore, #tpu.memory_space<semaphore_mem>> -> memref<1x!tpu.dma_semaphore, #tpu.memory_space<semaphore_mem>>
      %dma_wait3A_107 = tpu.memref_squeeze %dma_wait3A_106 : memref<1x!tpu.dma_semaphore, #tpu.memory_space<semaphore_mem>> -> memref<!tpu.dma_semaphore, #tpu.memory_space<semaphore_mem>>
      tpu.wait_indirect_dma semaphore(%dma_wait3A_107 : memref<!tpu.dma_semaphore, #tpu.memory_space<semaphore_mem>>) src(%dma_wait3A_105 : memref<20000x64xf32, #tpu.memory_space<hbm>>) dst(%dma_wait3A_99 : memref<80x64xf32, #tpu.memory_space<vmem>>)
      %dma_start3A_108 = arith.constant 0 : i32
      %dma_start3A_109 = arith.constant 0 : i32
      %dma_start3A_110 = tpu.memref_slice %arg10[%rem3A_89, %dma_start3A_108, %dma_start3A_109] : memref<4x80x64xf32, #tpu.memory_space<vmem>> -> memref<1x80x64xf32, #tpu.memory_space<vmem>>
      %dma_start3A_111 = tpu.memref_squeeze %dma_start3A_110 : memref<1x80x64xf32, #tpu.memory_space<vmem>> -> memref<80x64xf32, #tpu.memory_space<vmem>>
      %dma_start3A_112 = arith.constant 0 : i32
      %dma_start3A_113 = tpu.memref_slice %arg9[%scan3A_87, %dma_start3A_112] : memref<250x80xi32, #tpu.memory_space<vmem>> -> memref<1x80xi32, #tpu.memory_space<vmem>>
      %dma_start3A_114 = tpu.memref_squeeze %dma_start3A_113 : memref<1x80xi32, #tpu.memory_space<vmem>> -> memref<80xi32, #tpu.memory_space<vmem>>
      %dma_start3A_115 = arith.constant 0 : i32
      %dma_start3A_116 = arith.constant 0 : i32
      %dma_start3A_117 = tpu.memref_slice %arg12[%dma_start3A_115, %dma_start3A_116] : memref<10000x64xf32, #tpu.memory_space<vmem_shared>> -> memref<10000x64xf32, #tpu.memory_space<vmem_shared>>
      %dma_start3A_118 = tpu.memref_slice %arg15[%rem3A_89] : memref<4x!tpu.dma_semaphore, #tpu.memory_space<semaphore_mem>> -> memref<1x!tpu.dma_semaphore, #tpu.memory_space<semaphore_mem>>
      %dma_start3A_119 = tpu.memref_squeeze %dma_start3A_118 : memref<1x!tpu.dma_semaphore, #tpu.memory_space<semaphore_mem>> -> memref<!tpu.dma_semaphore, #tpu.memory_space<semaphore_mem>>
      tpu.enqueue_indirect_dma source(%dma_start3A_111 : memref<80x64xf32, #tpu.memory_space<vmem>>) target(%dma_start3A_117 : memref<10000x64xf32, #tpu.memory_space<vmem_shared>>) offsets(%dma_start3A_114 : memref<80xi32, #tpu.memory_space<vmem>>) semaphore(%dma_start3A_119 : memref<!tpu.dma_semaphore, #tpu.memory_space<semaphore_mem>>) {add = true}
    }
    %scan3A_77 = arith.constant 250 : i32
    %scan3A_78 = arith.constant 0 : i32
    %scan3A_79 = arith.constant 0 : i32
    %scan3A_80 = arith.constant 4 : i32
    %scan3A_81 = arith.addi %scan3A_79, %scan3A_80 : i32
    %scan3A_82 = arith.constant 1 : i32
    scf.for %scan3A_87 = %scan3A_79 to %scan3A_81 step %scan3A_82  : i32 {
      %add3A_88 = arith.constant 246 : i32
      %add3A_89 = arith.addi %add3A_88, %scan3A_87 : i32
      %rem3A_90 = arith.constant 4 : i32
      %rem3A_91 = arith.remsi %add3A_89, %rem3A_90 : i32
      %rem3A_92 = arith.constant 4 : i32
      %rem3A_93 = arith.remsi %add3A_89, %rem3A_92 : i32
      %dma_wait3A = arith.constant 0 : i32
      %dma_wait3A_94 = arith.constant 0 : i32
      %dma_wait3A_95 = tpu.memref_slice %arg10[%rem3A_91, %dma_wait3A, %dma_wait3A_94] : memref<4x80x64xf32, #tpu.memory_space<vmem>> -> memref<1x80x64xf32, #tpu.memory_space<vmem>>
      %dma_wait3A_96 = tpu.memref_squeeze %dma_wait3A_95 : memref<1x80x64xf32, #tpu.memory_space<vmem>> -> memref<80x64xf32, #tpu.memory_space<vmem>>
      %dma_wait3A_97 = arith.constant 0 : i32
      %dma_wait3A_98 = tpu.memref_slice %arg9[%add3A_89, %dma_wait3A_97] : memref<250x80xi32, #tpu.memory_space<vmem>> -> memref<1x80xi32, #tpu.memory_space<vmem>>
      %dma_wait3A_99 = tpu.memref_squeeze %dma_wait3A_98 : memref<1x80xi32, #tpu.memory_space<vmem>> -> memref<80xi32, #tpu.memory_space<vmem>>
      %dma_wait3A_100 = arith.constant 0 : i32
      %dma_wait3A_101 = arith.constant 0 : i32
      %dma_wait3A_102 = tpu.memref_slice %arg12[%dma_wait3A_100, %dma_wait3A_101] : memref<10000x64xf32, #tpu.memory_space<vmem_shared>> -> memref<10000x64xf32, #tpu.memory_space<vmem_shared>>
      %dma_wait3A_103 = tpu.memref_slice %arg15[%rem3A_93] : memref<4x!tpu.dma_semaphore, #tpu.memory_space<semaphore_mem>> -> memref<1x!tpu.dma_semaphore, #tpu.memory_space<semaphore_mem>>
      %dma_wait3A_104 = tpu.memref_squeeze %dma_wait3A_103 : memref<1x!tpu.dma_semaphore, #tpu.memory_space<semaphore_mem>> -> memref<!tpu.dma_semaphore, #tpu.memory_space<semaphore_mem>>
      tpu.wait_indirect_dma semaphore(%dma_wait3A_104 : memref<!tpu.dma_semaphore, #tpu.memory_space<semaphore_mem>>) src(%dma_wait3A_96 : memref<80x64xf32, #tpu.memory_space<vmem>>) dst(%dma_wait3A_102 : memref<10000x64xf32, #tpu.memory_space<vmem_shared>>)
    }
    %scan3A_83 = arith.constant 4 : i32
    %barrier3A_84 = arith.constant 0 : index
    tpu.barrier barrier_id(%barrier3A_84)
    %lt3A = arith.constant 2 : i32
    %lt3A_85 = arith.cmpi slt, %arg1, %lt3A : i32
    %convert_element_type3A = arith.extui %lt3A_85 : i1 to i32
    %cond3A = arith.constant 0 : i32
    %cond3A_86 = arith.cmpi ne, %convert_element_type3A, %cond3A : i32
    scf.if %cond3A_86 {
      %mul3A_87 = arith.constant 5000 : i32
      %mul3A_88 = arith.muli %arg1, %mul3A_87 : i32
      "tpu.region"() ({
        %run_scoped3A = tpu.sem_alloc : memref<!tpu.dma_semaphore, #tpu.memory_space<semaphore_mem>>
        %dma_start3A_89 = arith.constant 0 : i32
        %dma_start3A_90 = tpu.memref_slice %arg6[%arg0, %mul3A_88, %dma_start3A_89] : memref<2x10000x64xf32, #tpu.memory_space<hbm>> -> memref<1x5000x64xf32, #tpu.memory_space<hbm>>
        %dma_start3A_91 = tpu.memref_squeeze %dma_start3A_90 : memref<1x5000x64xf32, #tpu.memory_space<hbm>> -> memref<5000x64xf32, #tpu.memory_space<hbm>>
        %dma_start3A_92 = arith.constant 0 : i32
        %dma_start3A_93 = tpu.memref_slice %arg12[%mul3A_88, %dma_start3A_92] : memref<10000x64xf32, #tpu.memory_space<vmem_shared>> -> memref<5000x64xf32, #tpu.memory_space<vmem_shared>>
        tpu.enqueue_dma source(%dma_start3A_93 : memref<5000x64xf32, #tpu.memory_space<vmem_shared>>) target(%dma_start3A_91 : memref<5000x64xf32, #tpu.memory_space<hbm>>) target_semaphore(%run_scoped3A : memref<!tpu.dma_semaphore, #tpu.memory_space<semaphore_mem>>)
        %dma_wait3A = arith.constant 0 : i32
        %dma_wait3A_94 = tpu.memref_slice %arg6[%arg0, %mul3A_88, %dma_wait3A] : memref<2x10000x64xf32, #tpu.memory_space<hbm>> -> memref<1x5000x64xf32, #tpu.memory_space<hbm>>
        %dma_wait3A_95 = tpu.memref_squeeze %dma_wait3A_94 : memref<1x5000x64xf32, #tpu.memory_space<hbm>> -> memref<5000x64xf32, #tpu.memory_space<hbm>>
        %dma_wait3A_96 = arith.constant 0 : i32
        %dma_wait3A_97 = tpu.memref_slice %arg12[%mul3A_88, %dma_wait3A_96] : memref<10000x64xf32, #tpu.memory_space<vmem_shared>> -> memref<5000x64xf32, #tpu.memory_space<vmem_shared>>
        tpu.wait_dma2 semaphore(%run_scoped3A : memref<!tpu.dma_semaphore, #tpu.memory_space<semaphore_mem>>) src(%dma_wait3A_97 : memref<5000x64xf32, #tpu.memory_space<vmem_shared>>) dst(%dma_wait3A_95 : memref<5000x64xf32, #tpu.memory_space<hbm>>)
        tpu.yield
      }) : () -> ()
    } else {
    }
    return
  }
}

module attributes {stable_mosaic.version = 14 : i64} {
  func.func @_mm_body(%arg0: i32, %arg1: memref<1000x128xf32, #tpu.memory_space<vmem>>, %arg2: memref<128x128xf32, #tpu.memory_space<vmem>>, %arg3: memref<2x1000x64xf32, #tpu.memory_space<vmem>>) attributes {dimension_semantics = [#tpu.dimension_semantics<arbitrary>], iteration_bounds = array<i64: 10>, scalar_prefetch = 0 : i64, scratch_operands = 0 : i64, tpu.core_type = #tpu.core_type<tc>, window_params = [{transform_indices = @transform_0, window_bounds = array<i64: 1000, 128>}, {pipeline_mode = #tpu.pipeline_mode<synchronous>, transform_indices = @transform_1, window_bounds = array<i64: 128, 128>}, {transform_indices = @transform_2, window_bounds = array<i64: 2, 1000, 64>}]} {
    %get3A = arith.constant 0 : index
    %get3A_0 = arith.constant 0 : index
    %get3A_1 = vector.load %arg1[%get3A, %get3A_0] : memref<1000x128xf32, #tpu.memory_space<vmem>>, vector<1000x128xf32>
    %get3A_2 = arith.constant 0 : index
    %get3A_3 = arith.constant 0 : index
    %get3A_4 = vector.load %arg2[%get3A_2, %get3A_3] : memref<128x128xf32, #tpu.memory_space<vmem>>, vector<128x128xf32>
    %dot_general3A = arith.constant dense<0.000000e+00> : vector<1000x128xf32>
    %dot_general3A_5 = tpu.matmul %get3A_1, %get3A_4, %dot_general3A {dimension_numbers = #tpu.dot_dimension_numbers<[1], [0], [0], [1], [0, 0, 1, 1], [], []>, transpose_lhs_hint = false} : vector<1000x128xf32>, vector<128x128xf32>, vector<1000x128xf32> -> vector<1000x128xf32>
    %slice3A = vector.extract_strided_slice %dot_general3A_5 {offsets = [0, 0], sizes = [1000, 64], strides = [1, 1]} : vector<1000x128xf32> to vector<1000x64xf32>
    %swap3A = arith.constant 0 : index
    %swap3A_6 = arith.constant 0 : index
    %swap3A_7 = arith.constant 0 : index
    %swap3A_8 = vector.load %arg3[%swap3A, %swap3A_6, %swap3A_7] : memref<2x1000x64xf32, #tpu.memory_space<vmem>>, vector<1x1000x64xf32>
    %swap3A_9 = vector.shape_cast %swap3A_8 : vector<1x1000x64xf32> to vector<1000x64xf32>
    %swap3A_10 = vector.shape_cast %slice3A : vector<1000x64xf32> to vector<1x1000x64xf32>
    tpu.vector_store %arg3[%swap3A, %swap3A_6, %swap3A_7], %swap3A_10 {strides = array<i32>} : memref<2x1000x64xf32, #tpu.memory_space<vmem>>, vector<1x1000x64xf32>,
    %slice3A_11 = vector.extract_strided_slice %dot_general3A_5 {offsets = [0, 64], sizes = [1000, 64], strides = [1, 1]} : vector<1000x128xf32> to vector<1000x64xf32>
    %swap3A_12 = arith.constant 1 : index
    %swap3A_13 = arith.constant 0 : index
    %swap3A_14 = arith.constant 0 : index
    %swap3A_15 = vector.load %arg3[%swap3A_12, %swap3A_13, %swap3A_14] : memref<2x1000x64xf32, #tpu.memory_space<vmem>>, vector<1x1000x64xf32>
    %swap3A_16 = vector.shape_cast %swap3A_15 : vector<1x1000x64xf32> to vector<1000x64xf32>
    %swap3A_17 = vector.shape_cast %slice3A_11 : vector<1000x64xf32> to vector<1x1000x64xf32>
    tpu.vector_store %arg3[%swap3A_12, %swap3A_13, %swap3A_14], %swap3A_17 {strides = array<i32>} : memref<2x1000x64xf32, #tpu.memory_space<vmem>>, vector<1x1000x64xf32>,
    return
  }
  func.func @transform_0(%arg0: i32) -> (i32, i32) {
    %c0_i32 = arith.constant 0 : i32
    %c0_i32_0 = arith.constant 0 : i32
    return %arg0, %c0_i32 : i32, i32
  }
  func.func @transform_1(%arg0: i32) -> (i32, i32) {
    %c0_i32 = arith.constant 0 : i32
    %c0_i32_0 = arith.constant 0 : i32
    %c0_i32_1 = arith.constant 0 : i32
    return %c0_i32, %c0_i32_0 : i32, i32
  }
  func.func @transform_2(%arg0: i32) -> (i32, i32, i32) {
    %c0_i32 = arith.constant 0 : i32
    %c0_i32_0 = arith.constant 0 : i32
    %c0_i32_1 = arith.constant 0 : i32
    return %c0_i32, %arg0, %c0_i32_0 : i32, i32, i32
  }
}

module attributes {stable_mosaic.version = 14 : i64} {
  func.func @_comb_mm_body(%arg0: i32, %arg1: memref<2x1000x64xf32, #tpu.memory_space<vmem>>, %arg2: memref<2x1000x64xf32, #tpu.memory_space<vmem>>, %arg3: memref<2x1000x8xf32, #tpu.memory_space<vmem>>, %arg4: memref<1x128xf32, #tpu.memory_space<vmem>>, %arg5: memref<128x128xf32, #tpu.memory_space<vmem>>, %arg6: memref<2x1000x64xf32, #tpu.memory_space<vmem>>) attributes {dimension_semantics = [#tpu.dimension_semantics<arbitrary>], iteration_bounds = array<i64: 10>, scalar_prefetch = 0 : i64, scratch_operands = 0 : i64, tpu.core_type = #tpu.core_type<tc>, window_params = [{transform_indices = @transform_0, window_bounds = array<i64: 2, 1000, 64>}, {transform_indices = @transform_1, window_bounds = array<i64: 2, 1000, 64>}, {transform_indices = @transform_2, window_bounds = array<i64: 2, 1000, 8>}, {pipeline_mode = #tpu.pipeline_mode<synchronous>, transform_indices = @transform_3, window_bounds = array<i64: 1, 128>}, {pipeline_mode = #tpu.pipeline_mode<synchronous>, transform_indices = @transform_4, window_bounds = array<i64: 128, 128>}, {transform_indices = @transform_5, window_bounds = array<i64: 2, 1000, 64>}]} {
    %get3A = arith.constant 0 : index
    %get3A_0 = arith.constant 0 : index
    %get3A_1 = arith.constant 0 : index
    %get3A_2 = vector.load %arg1[%get3A, %get3A_0, %get3A_1] : memref<2x1000x64xf32, #tpu.memory_space<vmem>>, vector<1x1000x64xf32>
    %get3A_3 = vector.shape_cast %get3A_2 : vector<1x1000x64xf32> to vector<1000x64xf32>
    %get3A_4 = arith.constant 0 : index
    %get3A_5 = arith.constant 0 : index
    %get3A_6 = arith.constant 0 : index
    %get3A_7 = vector.load %arg2[%get3A_4, %get3A_5, %get3A_6] : memref<2x1000x64xf32, #tpu.memory_space<vmem>>, vector<1x1000x64xf32>
    %get3A_8 = vector.shape_cast %get3A_7 : vector<1x1000x64xf32> to vector<1000x64xf32>
    %add3A = arith.addf %get3A_3, %get3A_8 : vector<1000x64xf32>
    %get3A_9 = arith.constant 1 : index
    %get3A_10 = arith.constant 0 : index
    %get3A_11 = arith.constant 0 : index
    %get3A_12 = vector.load %arg1[%get3A_9, %get3A_10, %get3A_11] : memref<2x1000x64xf32, #tpu.memory_space<vmem>>, vector<1x1000x64xf32>
    %get3A_13 = vector.shape_cast %get3A_12 : vector<1x1000x64xf32> to vector<1000x64xf32>
    %get3A_14 = arith.constant 1 : index
    %get3A_15 = arith.constant 0 : index
    %get3A_16 = arith.constant 0 : index
    %get3A_17 = vector.load %arg2[%get3A_14, %get3A_15, %get3A_16] : memref<2x1000x64xf32, #tpu.memory_space<vmem>>, vector<1x1000x64xf32>
    %get3A_18 = vector.shape_cast %get3A_17 : vector<1x1000x64xf32> to vector<1000x64xf32>
    %add3A_19 = arith.addf %get3A_13, %get3A_18 : vector<1000x64xf32>
    %concatenate3A = tpu.concatenate %add3A, %add3A_19 in 1 : vector<1000x64xf32>, vector<1000x64xf32> -> vector<1000x128xf32>
    %get3A_20 = arith.constant 0 : index
    %get3A_21 = arith.constant 0 : index
    %get3A_22 = arith.constant 0 : index
    %get3A_23 = vector.load %arg3[%get3A_20, %get3A_21, %get3A_22] : memref<2x1000x8xf32, #tpu.memory_space<vmem>>, vector<1x1000x1xf32>
    %get3A_24 = vector.shape_cast %get3A_23 : vector<1x1000x1xf32> to vector<1000x1xf32>
    %get3A_25 = arith.constant 1 : index
    %get3A_26 = arith.constant 0 : index
    %get3A_27 = arith.constant 0 : index
    %get3A_28 = vector.load %arg3[%get3A_25, %get3A_26, %get3A_27] : memref<2x1000x8xf32, #tpu.memory_space<vmem>>, vector<1x1000x1xf32>
    %get3A_29 = vector.shape_cast %get3A_28 : vector<1x1000x1xf32> to vector<1000x1xf32>
    %add3A_30 = arith.addf %get3A_24, %get3A_29 : vector<1000x1xf32>
    %add3A_31 = arith.constant 1.000000e+00 : f32
    %add3A_32 = vector.broadcast %add3A_31 : f32 to vector<1000x1xf32>
    %add3A_33 = arith.addf %add3A_30, %add3A_32 : vector<1000x1xf32>
    %div3A = vector.broadcast %add3A_33 : vector<1000x1xf32> to vector<1000x128xf32>
    %div3A_34 = arith.divf %concatenate3A, %div3A : vector<1000x128xf32>
    %get3A_35 = arith.constant 0 : index
    %get3A_36 = arith.constant 0 : index
    %get3A_37 = vector.load %arg4[%get3A_35, %get3A_36] : memref<1x128xf32, #tpu.memory_space<vmem>>, vector<1x128xf32>
    %add3A_38 = vector.broadcast %get3A_37 : vector<1x128xf32> to vector<1000x128xf32>
    %add3A_39 = arith.addf %div3A_34, %add3A_38 : vector<1000x128xf32>
    %max3A = arith.constant 0.000000e+00 : f32
    %max3A_40 = vector.broadcast %max3A : f32 to vector<1000x128xf32>
    %max3A_41 = arith.maximumf %add3A_39, %max3A_40 : vector<1000x128xf32>
    %get3A_42 = arith.constant 0 : index
    %get3A_43 = arith.constant 0 : index
    %get3A_44 = vector.load %arg5[%get3A_42, %get3A_43] : memref<128x128xf32, #tpu.memory_space<vmem>>, vector<128x128xf32>
    %dot_general3A = arith.constant dense<0.000000e+00> : vector<1000x128xf32>
    %dot_general3A_45 = tpu.matmul %max3A_41, %get3A_44, %dot_general3A {dimension_numbers = #tpu.dot_dimension_numbers<[1], [0], [0], [1], [0, 0, 1, 1], [], []>, transpose_lhs_hint = false} : vector<1000x128xf32>, vector<128x128xf32>, vector<1000x128xf32> -> vector<1000x128xf32>
    %slice3A = vector.extract_strided_slice %dot_general3A_45 {offsets = [0, 0], sizes = [1000, 64], strides = [1, 1]} : vector<1000x128xf32> to vector<1000x64xf32>
    %swap3A = arith.constant 0 : index
    %swap3A_46 = arith.constant 0 : index
    %swap3A_47 = arith.constant 0 : index
    %swap3A_48 = vector.load %arg6[%swap3A, %swap3A_46, %swap3A_47] : memref<2x1000x64xf32, #tpu.memory_space<vmem>>, vector<1x1000x64xf32>
    %swap3A_49 = vector.shape_cast %swap3A_48 : vector<1x1000x64xf32> to vector<1000x64xf32>
    %swap3A_50 = vector.shape_cast %slice3A : vector<1000x64xf32> to vector<1x1000x64xf32>
    tpu.vector_store %arg6[%swap3A, %swap3A_46, %swap3A_47], %swap3A_50 {strides = array<i32>} : memref<2x1000x64xf32, #tpu.memory_space<vmem>>, vector<1x1000x64xf32>,
    %slice3A_51 = vector.extract_strided_slice %dot_general3A_45 {offsets = [0, 64], sizes = [1000, 64], strides = [1, 1]} : vector<1000x128xf32> to vector<1000x64xf32>
    %swap3A_52 = arith.constant 1 : index
    %swap3A_53 = arith.constant 0 : index
    %swap3A_54 = arith.constant 0 : index
    %swap3A_55 = vector.load %arg6[%swap3A_52, %swap3A_53, %swap3A_54] : memref<2x1000x64xf32, #tpu.memory_space<vmem>>, vector<1x1000x64xf32>
    %swap3A_56 = vector.shape_cast %swap3A_55 : vector<1x1000x64xf32> to vector<1000x64xf32>
    %swap3A_57 = vector.shape_cast %slice3A_51 : vector<1000x64xf32> to vector<1x1000x64xf32>
    tpu.vector_store %arg6[%swap3A_52, %swap3A_53, %swap3A_54], %swap3A_57 {strides = array<i32>} : memref<2x1000x64xf32, #tpu.memory_space<vmem>>, vector<1x1000x64xf32>,
    return
  }
  func.func @transform_0(%arg0: i32) -> (i32, i32, i32) {
    %c0_i32 = arith.constant 0 : i32
    %c0_i32_0 = arith.constant 0 : i32
    %c0_i32_1 = arith.constant 0 : i32
    return %c0_i32, %arg0, %c0_i32_0 : i32, i32, i32
  }
  func.func @transform_1(%arg0: i32) -> (i32, i32, i32) {
    %c0_i32 = arith.constant 0 : i32
    %c0_i32_0 = arith.constant 0 : i32
    %c0_i32_1 = arith.constant 0 : i32
    return %c0_i32, %arg0, %c0_i32_0 : i32, i32, i32
  }
  func.func @transform_2(%arg0: i32) -> (i32, i32, i32) {
    %c0_i32 = arith.constant 0 : i32
    %c0_i32_0 = arith.constant 0 : i32
    %c0_i32_1 = arith.constant 0 : i32
    return %c0_i32, %arg0, %c0_i32_0 : i32, i32, i32
  }
  func.func @transform_3(%arg0: i32) -> (i32, i32) {
    %c0_i32 = arith.constant 0 : i32
    %c0_i32_0 = arith.constant 0 : i32
    %c0_i32_1 = arith.constant 0 : i32
    return %c0_i32, %c0_i32_0 : i32, i32
  }
  func.func @transform_4(%arg0: i32) -> (i32, i32) {
    %c0_i32 = arith.constant 0 : i32
    %c0_i32_0 = arith.constant 0 : i32
    %c0_i32_1 = arith.constant 0 : i32
    return %c0_i32, %c0_i32_0 : i32, i32
  }
  func.func @transform_5(%arg0: i32) -> (i32, i32, i32) {
    %c0_i32 = arith.constant 0 : i32
    %c0_i32_0 = arith.constant 0 : i32
    %c0_i32_1 = arith.constant 0 : i32
    return %c0_i32, %arg0, %c0_i32_0 : i32, i32, i32
  }
}

module attributes {stable_mosaic.version = 14 : i64} {
  func.func @_comb_body(%arg0: i32, %arg1: memref<2x1000x64xf32, #tpu.memory_space<vmem>>, %arg2: memref<2x1000x64xf32, #tpu.memory_space<vmem>>, %arg3: memref<2x1000x8xf32, #tpu.memory_space<vmem>>, %arg4: memref<1x128xf32, #tpu.memory_space<vmem>>, %arg5: memref<1000x128xf32, #tpu.memory_space<vmem>>) attributes {dimension_semantics = [#tpu.dimension_semantics<arbitrary>], iteration_bounds = array<i64: 10>, scalar_prefetch = 0 : i64, scratch_operands = 0 : i64, tpu.core_type = #tpu.core_type<tc>, window_params = [{transform_indices = @transform_0, window_bounds = array<i64: 2, 1000, 64>}, {transform_indices = @transform_1, window_bounds = array<i64: 2, 1000, 64>}, {transform_indices = @transform_2, window_bounds = array<i64: 2, 1000, 8>}, {pipeline_mode = #tpu.pipeline_mode<synchronous>, transform_indices = @transform_3, window_bounds = array<i64: 1, 128>}, {transform_indices = @transform_4, window_bounds = array<i64: 1000, 128>}]} {
    %get3A = arith.constant 0 : index
    %get3A_0 = arith.constant 0 : index
    %get3A_1 = arith.constant 0 : index
    %get3A_2 = vector.load %arg1[%get3A, %get3A_0, %get3A_1] : memref<2x1000x64xf32, #tpu.memory_space<vmem>>, vector<1x1000x64xf32>
    %get3A_3 = vector.shape_cast %get3A_2 : vector<1x1000x64xf32> to vector<1000x64xf32>
    %get3A_4 = arith.constant 0 : index
    %get3A_5 = arith.constant 0 : index
    %get3A_6 = arith.constant 0 : index
    %get3A_7 = vector.load %arg2[%get3A_4, %get3A_5, %get3A_6] : memref<2x1000x64xf32, #tpu.memory_space<vmem>>, vector<1x1000x64xf32>
    %get3A_8 = vector.shape_cast %get3A_7 : vector<1x1000x64xf32> to vector<1000x64xf32>
    %add3A = arith.addf %get3A_3, %get3A_8 : vector<1000x64xf32>
    %get3A_9 = arith.constant 1 : index
    %get3A_10 = arith.constant 0 : index
    %get3A_11 = arith.constant 0 : index
    %get3A_12 = vector.load %arg1[%get3A_9, %get3A_10, %get3A_11] : memref<2x1000x64xf32, #tpu.memory_space<vmem>>, vector<1x1000x64xf32>
    %get3A_13 = vector.shape_cast %get3A_12 : vector<1x1000x64xf32> to vector<1000x64xf32>
    %get3A_14 = arith.constant 1 : index
    %get3A_15 = arith.constant 0 : index
    %get3A_16 = arith.constant 0 : index
    %get3A_17 = vector.load %arg2[%get3A_14, %get3A_15, %get3A_16] : memref<2x1000x64xf32, #tpu.memory_space<vmem>>, vector<1x1000x64xf32>
    %get3A_18 = vector.shape_cast %get3A_17 : vector<1x1000x64xf32> to vector<1000x64xf32>
    %add3A_19 = arith.addf %get3A_13, %get3A_18 : vector<1000x64xf32>
    %concatenate3A = tpu.concatenate %add3A, %add3A_19 in 1 : vector<1000x64xf32>, vector<1000x64xf32> -> vector<1000x128xf32>
    %get3A_20 = arith.constant 0 : index
    %get3A_21 = arith.constant 0 : index
    %get3A_22 = arith.constant 0 : index
    %get3A_23 = vector.load %arg3[%get3A_20, %get3A_21, %get3A_22] : memref<2x1000x8xf32, #tpu.memory_space<vmem>>, vector<1x1000x1xf32>
    %get3A_24 = vector.shape_cast %get3A_23 : vector<1x1000x1xf32> to vector<1000x1xf32>
    %get3A_25 = arith.constant 1 : index
    %get3A_26 = arith.constant 0 : index
    %get3A_27 = arith.constant 0 : index
    %get3A_28 = vector.load %arg3[%get3A_25, %get3A_26, %get3A_27] : memref<2x1000x8xf32, #tpu.memory_space<vmem>>, vector<1x1000x1xf32>
    %get3A_29 = vector.shape_cast %get3A_28 : vector<1x1000x1xf32> to vector<1000x1xf32>
    %add3A_30 = arith.addf %get3A_24, %get3A_29 : vector<1000x1xf32>
    %add3A_31 = arith.constant 1.000000e+00 : f32
    %add3A_32 = vector.broadcast %add3A_31 : f32 to vector<1000x1xf32>
    %add3A_33 = arith.addf %add3A_30, %add3A_32 : vector<1000x1xf32>
    %div3A = vector.broadcast %add3A_33 : vector<1000x1xf32> to vector<1000x128xf32>
    %div3A_34 = arith.divf %concatenate3A, %div3A : vector<1000x128xf32>
    %get3A_35 = arith.constant 0 : index
    %get3A_36 = arith.constant 0 : index
    %get3A_37 = vector.load %arg4[%get3A_35, %get3A_36] : memref<1x128xf32, #tpu.memory_space<vmem>>, vector<1x128xf32>
    %add3A_38 = vector.broadcast %get3A_37 : vector<1x128xf32> to vector<1000x128xf32>
    %add3A_39 = arith.addf %div3A_34, %add3A_38 : vector<1000x128xf32>
    %max3A = arith.constant 0.000000e+00 : f32
    %max3A_40 = vector.broadcast %max3A : f32 to vector<1000x128xf32>
    %max3A_41 = arith.maximumf %add3A_39, %max3A_40 : vector<1000x128xf32>
    %swap3A = arith.constant 0 : index
    %swap3A_42 = arith.constant 0 : index
    %swap3A_43 = vector.load %arg5[%swap3A, %swap3A_42] : memref<1000x128xf32, #tpu.memory_space<vmem>>, vector<1000x128xf32>
    tpu.vector_store %arg5[%swap3A, %swap3A_42], %max3A_41 {strides = array<i32>} : memref<1000x128xf32, #tpu.memory_space<vmem>>, vector<1000x128xf32>,
    return
  }
  func.func @transform_0(%arg0: i32) -> (i32, i32, i32) {
    %c0_i32 = arith.constant 0 : i32
    %c0_i32_0 = arith.constant 0 : i32
    %c0_i32_1 = arith.constant 0 : i32
    return %c0_i32, %arg0, %c0_i32_0 : i32, i32, i32
  }
  func.func @transform_1(%arg0: i32) -> (i32, i32, i32) {
    %c0_i32 = arith.constant 0 : i32
    %c0_i32_0 = arith.constant 0 : i32
    %c0_i32_1 = arith.constant 0 : i32
    return %c0_i32, %arg0, %c0_i32_0 : i32, i32, i32
  }
  func.func @transform_2(%arg0: i32) -> (i32, i32, i32) {
    %c0_i32 = arith.constant 0 : i32
    %c0_i32_0 = arith.constant 0 : i32
    %c0_i32_1 = arith.constant 0 : i32
    return %c0_i32, %arg0, %c0_i32_0 : i32, i32, i32
  }
  func.func @transform_3(%arg0: i32) -> (i32, i32) {
    %c0_i32 = arith.constant 0 : i32
    %c0_i32_0 = arith.constant 0 : i32
    %c0_i32_1 = arith.constant 0 : i32
    return %c0_i32, %c0_i32_0 : i32, i32
  }
  func.func @transform_4(%arg0: i32) -> (i32, i32) {
    %c0_i32 = arith.constant 0 : i32
    %c0_i32_0 = arith.constant 0 : i32
    return %arg0, %c0_i32 : i32, i32
  }
}

</mosaic_0001>

<sc_bundles>
// kernel: kernel.10.cloned.1.call-start
scs
__scs_entry_jumppad:
0x0: {  	(pc) =	sbr.rel $0x88, $3  }
0x1: {  	(tag) =	ssettag $0x0;
	lr =	simm.s32 $0x1  }
0x2: {  	[smem:$0x3F9B] =	sst lr;
	_ =	strace $0xD0000000  }
0x3: {  	_ = 	snop  }
0x4: {  	_ = 	snop  }
0x5: {  	_ = 	snop  }
0x6: {  	_ = 	snop  }
0x7: {  	_ = 	snop  }
__scs_overlays_trampoline_lowered:
0x8: {  	[smem:$0x3FAA] =	sst s0  }
0x9: {  	[smem:$0x3FAB] =	sst s1  }
0xa: {  	[smem:$0x3FAC] =	sst s2  }
0xb: {  	[smem:$0x3FAD] =	sst s3  }
0xc: {  	[smem:$0x3FAE] =	sst s4  }
0xd: {  	[smem:$0x3FAF] =	sst s5  }
0xe: {  	[smem:$0x3FB0] =	sst s6  }
0xf: {  	[smem:$0x3FB1] =	sst s7  }
0x10: {  	[smem:$0x3FB2] =	sst s8  }
0x11: {  	[smem:$0x3FB3] =	sst s9;
	s0 =	simm.s32 @!p0 $0x0  }
0x12: {  	s1 =	sld [smem:$0x3F99];
	s0 =	simm.s32 @p0 $0x1  }
0x13: {  	[smem:$0x3FB4] =	sst s0;
	s0 =	simm.s32 @!p1 $0x0  }
0x14: {  	s2 =	sld [smem:$0x3F98];
	s0 =	simm.s32 @p1 $0x1  }
0x15: {  	[smem:$0x3FB5] =	sst s0;
	s0 =	simm.s32 @!p2 $0x0  }
0x16: {  	s3 =	sld [smem:$0x3FDB];
	s0 =	simm.s32 @p2 $0x1  }
0x17: {  	s4 =	simm.s32 $0x1BF5;
	[smem:$0x3FB7] =	sst s0  }
0x18: {  	s0 =	sld [smem:$0x3F9A];
	_ =	swait.ge [sflag:s4], $0x0  }
0x19: {  	s7 =	sld [smem:$0x3F9B]  }
0x1a: {  	s8 =	sadd.s32 $0xFFFFE003, lr  }
0x1b: {  	s9 =	sadd.s32 $0xFFFFFEF7, lr;
	s5 =	simm.s32 $0xFFFFFFFF;
	p2 =	slt.u32 s8, $0xFFFFF086  }
0x1c: {  	p1 =	slt.u32 s9, $0xF7A;
	s5 =	simm.s32 @!p2 $0x0  }
0x1d: {  	s5 =	simm.s32 @p1 $0x1;
	p0 =	seq.s32 s7, s2  }
0x1e: {  	s7 =	smul.u32 @!p0 $0xF7A, s2;
	p2 =	seq.s32 @!p0 s5, $0x0  }
0x1f: {  	s9 =	smul.u32 $0xF7A, s1;
	s8 =	simm.s32 @!p0 $0x1BF5;
	p2 =	por !p2, p0  }
0x20: {  	[sflag:s8] =	ssyncset.s32 @!p0 $0xFFFFF086;
	s6 =	sadd.s32 @!p0 s3, s7;
	s7 =	simm.s32 @!p0 $0x108  }
0x21: {  	s3 =	sadd.s32 s3, s9;
	s6 =	sadd.s32 @!p0 $0x88, s6;
	s7 =	simm.s32 @p2 $0x1082  }
0x22: {  	[simem:s7], [sflag:s8] =	dma.local @!p0 [hbm:s6], $0xF7A  }
0x23: {  	s9 =	sor.u32 $0xD0000000, s2;
	s6 =	simm.s32 $0x108;
	_ =	swait.ge @!p0 [sflag:s8], $0x0  }
0x24: {  	s3 =	sadd.s32 $0x88, s3;
	s6 =	simm.s32 @!p1 $0x1082;
	[sflag:s4] =	ssyncset.s32 $0xFFFFF086  }
0x25: {  	[simem:s6], [sflag:s4] =	dma.local [hbm:s3], $0xF7A  }
0x26: {  	[smem:$0x3F9B] =	sst s1;
	(tag) =	ssettag s2;
	_ =	strace s9  }
0x27: {  	s1 =	sld [smem:$0x3FAB]  }
0x28: {  	s2 =	sld [smem:$0x3FAC]  }
0x29: {  	s4 =	sld [smem:$0x3FAE]  }
0x2a: {  	p0 =	seq.s32 s5, $0x0;
	s5 =	sld [smem:$0x3FAF]  }
0x2b: {  	s6 =	sld [smem:$0x3FB0]  }
0x2c: {  	s7 =	sld [smem:$0x3FB1]  }
0x2d: {  	s3 =	simm.s32 $0x108;
	s8 =	sld [smem:$0x3FB2]  }
0x2e: {  	s3 =	simm.s32 @!p0 $0x1082;
	s9 =	sld [smem:$0x3FB3]  }
0x2f: {  	lr =	sadd.s32 s0, s3;
	s0 =	sld [smem:$0x3FAA]  }
0x30: {  	s3 =	sld [smem:$0x3FAD]  }
0x31: {  	[smem:$0x3FB6] =	sst s10  }
0x32: {  	s10 =	sld [smem:$0x3FB4];
	_ =	sdelay $0x3  }
0x33: {  	p0 =	seq.s32 s10, $0x1;
	s10 =	sld [smem:$0x3FB6];
	_ =	sdelay $0x3  }
0x34: {  	[smem:$0x3FB6] =	sst s10  }
0x35: {  	s10 =	sld [smem:$0x3FB5];
	_ =	sdelay $0x3  }
0x36: {  	p1 =	seq.s32 s10, $0x1;
	s10 =	sld [smem:$0x3FB6];
	_ =	sdelay $0x3  }
0x37: {  	[smem:$0x3FB6] =	sst s10  }
0x38: {  	s10 =	sld [smem:$0x3FB7]  }
0x39: {  	_ = 	snop;
	(pc) =	sbr.ind lr, $3  }
0x3a: {  	_ = 	snop  }
0x3b: {  	_ = 	snop  }
0x3c: {  	p2 =	seq.s32 s10, $0x1;
	s10 =	sld [smem:$0x3FB6]  }
0x3d: {  	_ =	shalt  }
0x3e: {  	_ =	shalt  }
0x3f: {  	_ =	shalt  }
0x40: {  	_ =	shalt  }
0x41: {  	_ =	shalt  }
0x42: {  	_ =	shalt  }
0x43: {  	_ =	shalt  }
0x44: {  	_ =	shalt  }
0x45: {  	_ =	shalt  }
0x46: {  	_ =	shalt  }
0x47: {  	_ =	shalt  }
0x48: {  	_ =	shalt  }
0x49: {  	_ =	shalt  }
0x4a: {  	_ =	shalt  }
0x4b: {  	_ =	shalt  }
0x4c: {  	_ =	shalt  }
0x4d: {  	_ =	shalt  }
0x4e: {  	_ =	shalt  }
0x4f: {  	_ =	shalt  }
0x50: {  	_ =	shalt  }
0x51: {  	_ =	shalt  }
0x52: {  	_ =	shalt  }
0x53: {  	_ =	shalt  }
0x54: {  	_ =	shalt  }
0x55: {  	_ =	shalt  }
0x56: {  	_ =	shalt  }
0x57: {  	_ =	shalt  }
0x58: {  	_ =	shalt  }
0x59: {  	_ =	shalt  }
0x5a: {  	_ =	shalt  }
0x5b: {  	_ =	shalt  }
0x5c: {  	_ =	shalt  }
0x5d: {  	_ =	shalt  }
0x5e: {  	_ =	shalt  }
0x5f: {  	_ =	shalt  }
0x60: {  	_ =	shalt  }
0x61: {  	_ =	shalt  }
0x62: {  	_ =	shalt  }
0x63: {  	_ =	shalt  }
0x64: {  	_ =	shalt  }
0x65: {  	_ =	shalt  }
0x66: {  	_ =	shalt  }
0x67: {  	_ =	shalt  }
0x68: {  	_ =	shalt  }
0x69: {  	_ =	shalt  }
0x6a: {  	_ =	shalt  }
0x6b: {  	_ =	shalt  }
0x6c: {  	_ =	shalt  }
0x6d: {  	_ =	shalt  }
0x6e: {  	_ =	shalt  }
0x6f: {  	_ =	shalt  }
0x70: {  	_ =	shalt  }
0x71: {  	_ =	shalt  }
0x72: {  	_ =	shalt  }
0x73: {  	_ =	shalt  }
0x74: {  	_ =	shalt  }
0x75: {  	_ =	shalt  }
0x76: {  	_ =	shalt  }
0x77: {  	_ =	shalt  }
0x78: {  	_ =	shalt  }
0x79: {  	_ =	shalt  }
0x7a: {  	_ =	shalt  }
0x7b: {  	_ =	shalt  }
0x7c: {  	_ =	shalt  }
0x7d: {  	_ =	shalt  }
0x7e: {  	_ =	shalt  }
0x7f: {  	_ =	shalt  }
0x80: {  	_ =	shalt  }
0x81: {  	_ =	shalt  }
0x82: {  	_ =	shalt  }
0x83: {  	_ =	shalt  }
0x84: {  	_ =	shalt  }
0x85: {  	_ =	shalt  }
0x86: {  	_ =	shalt  }
0x87: {  	_ =	shalt  }
.Lfunc_end0:
.L_simem_size_0:
called_computation.1_lowered:
.L_overlay_start_0:
0x88: {  	s2 =	sld [smem:$0x3FD9]  }
0x89: {  	s3 =	sld [smem:$0x3FFE];
	_ =	sdelay $0x1  }
0x8a: {  	s1 =	srdreg.scid  }
0x8b: {  	s0 =	sand.u32 $0x1, s1  }
0x8c: {  	s17 =	sshll.u32 s0, $0xA;
	s2 =	sadd.s32 s3, s2  }
0x8d: {  	s2 =	sadd.s32 s2, s17  }
0x8e: {  	[smem:$0x3FC2] =	sst s2  }
0x8f: {  	_ = 	snop  }
0x90: {  	s2 =	sld [smem:$0x3FD0];
	(tm) =	ssettm $0x1  }
0x91: {  	s18 =	sld [smem:$0x3FFB];
	_ =	sdelay $0x3  }
0x92: {  	_ =	strace s18  }
0x93: {  	s3 =	sld [smem:$0x3FFC];
	_ =	sdelay $0x3  }
0x94: {  	_ =	strace s3  }
0x95: {  	s3 =	sld [smem:$0x3FFD];
	_ =	sdelay $0x3  }
0x96: {  	_ =	strace s3  }
0x97: {  	_ =	strace $0x8FFFFFFF  }
0x98: {  	s19 =	sld [smem:$0x3FDB];
	_ =	sdelay $0x1  }
0x99: {  	s4 =	simm.s32 $_scs_section_size  }
0x9a: {  	s5 =	simm.s32 $_size__tile_overlayer_lowered;
	s6 =	simm.s32 $_tile_overlayer_lowered  }
0x9b: {  	s22 =	simm.s32 $0x1BFF;
	s21 =	sshll.u32 s6, $0x1;
	s3 =	sadd.s32 s4, s19  }
0x9c: {  	s7 =	simm.s32 $0x0;
	s20 =	sshll.u32 s5, $0x1;
	s5 =	sadd.s32 s21, s3  }
0x9d: {  	[timem:s7], [sflag:s22] =	dma.local [hbm:s5], s20  }
0x9e: {  	_ =	swait.ge [sflag:s22], s20  }
0x9f: {  	s4 =	ssub.s32 $0x0, s20;
	[sflag:s22] =	ssyncset.done $0x0  }
0xa0: {  	[sflag:s22] =	ssyncadd.s32 s4;
	_ =	sdelay $0x1  }
0xa1: {  	s23 =	simm.s32 $0x1B8B  }
0xa2: {  	_ =	swait.ge [sflag:s23], $0x1  }
0xa3: {  	[sflag:s23] =	ssyncset.done $0x0  }
0xa4: {  	s25 =	simm.s32 $0x1B8E;
	s24 =	sld [smem:$0x3FFE];
	[sflag:s23] =	ssyncadd.s32 $0xFFFFFFFF  }
0xa5: {  	s26 =	simm.s32 $execute0_lowered;
	[smem:$0x3FD2] =	sst s25  }
0xa6: {  	s5 =	sshll.u32 s26, $0x1;
	_ =	strace $0x80000049;
	[dreg:$0x1] =	wrdreg $0xFFFFFFFF  }
0xa7: {  	s28 =	simm.s32 $_size_execute0_lowered;
	s3 =	sadd.s32 s3, s5;
	[dreg:$0x0] =	wrdreg $0x0  }
0xa8: {  	s5 =	sshll.u32 s28, $0x1;
	[dreg:$0x2] =	wrdreg s3  }
0xa9: {  	[dreg:$0x3] =	wrdreg s5  }
0xaa: {  	[dreg:$0x4] =	wrdreg $0xC0  }
0xab: {  	_ =	task [dreg:s7], $0x5FFFF  }
0xac: {  	[dreg:$0x1] =	wrdreg $0xFFFFFFFF  }
0xad: {  	[dreg:$0x0] =	wrdreg $0x60  }
0xae: {  	[dreg:$0x2] =	wrdreg s2  }
0xaf: {  	[dreg:$0x3] =	wrdreg s24  }
0xb0: {  	[dreg:$0x4] =	wrdreg $0x13A600  }
0xb1: {  	[dreg:$0x5] =	wrdreg $0x9  }
0xb2: {  	_ =	task.clear_ibuf [dreg:s7], $0x6FFFF;
	_ =	strace $0x90000049  }
0xb3: {  	s29 =	simm.s32 $0x9;
	_ =	strace $0x8000004B  }
0xb4: {  	_ =	swait.ge [sflag:s29], $0x1  }
0xb5: {  	[sflag:s29] =	ssyncadd.s32 $0xFFFFFFFF  }
0xb6: {  	_ =	strace $0x9000004B  }
0xb7: {  	_ =	sfence  }
0xb8: {  	s30 =	sld [smem:$0x0];
	_ =	sdelay $0x2  }
0xb9: {  	s31 =	sshll.u32 s1, $0xD;
	s1 =	sshrl.u32 s1, $0x2  }
0xba: {  	s3 =	sand.u32 $0x4000, s31;
	s1 =	sadd.s32 s1, s30  }
0xbb: {  	s0 =	sor.u32 s3, s0;
	s1 =	sshll.u32 s1, $0x11  }
0xbc: {  	s0 =	sor.u32 s1, s0  }
0xbd: {  	s0 =	sadd.s32 $0x8F2B, s0  }
0xbe: {  	[sflag:s0] =	ssyncadd.remote.s32 $0x1  }
0xbf: {  	_ =	sfence.sel $0xFFFF  }
0xc0: {  	[dreg:$0x0] =	wrdreg $0xFFFFFFFF;
	(pc) =	sbr.abs _section_cstart, $3  }
0xc1: {  	[dreg:$0x1] =	wrdreg $0xFFFFFFFF  }
0xc2: {  	_ =	task.clear_ibuf [dreg:s7], $0x2FFFF;
	_ =	strace $0x9FFFFFFF  }
0xc3: {  	(tm) =	ssettm $0x7FFFFFFF  }
tec
execute0_lowered:
.L_overlay_start_1:
0x0: {  	(tag) =	ssettag $0x1  }
0x1: {  	s0 =	rddreg [dreg:$0x0]  }
0x2: {  	s1 =	rddreg [dreg:$0x1];
	s2 =	srdreg.scid  }
0x3: {  	s3 =	rddreg [dreg:$0x2];
	s6 =	simm.s32 $0x0;
	s11 =	simm.s32 $0xEA60  }
0x4: {  	s12 =	simm.s32 $0x50;
	s15 =	simm.s32 $0xFE60;
	s4 =	sand.u32 $0x1, s2  }
0x5: {  	s18 =	simm.s32 $0x1;
	s2 =	stileid.u32;
	s5 =	smul.u32 $0x9C400, s4  }
0x6: {  	s22 =	simm.s32 $0x2;
	s28 =	simm.s32 $0x5;
	s8 =	smul.u32 $0x4E200, s2  }
0x7: {  	s29 =	simm.s32 $0x6;
	[smem:$0x7FF] =	sst s6;
	s25 =	smul.u32 $0x9C4, s2  }
0x8: {  	s30 =	simm.s32 $0x0;
	_ =	strace $0x8000004A;
	s10 =	smul.u32 $0x5000, s2  }
0x9: {  	s7 =	ssub.s32 $0x2, s4;
	s4 =	smul.u32 $0x2710, s4;
	s26 =	ssub.s32 $0x8C, s2  }
0xa: {  	p0 =	sgt.u32 s2, $0x1;
	s9 =	sshrl.u32 s7, $0x1;
	s5 =	sadd.s32 s8, s5  }
0xb: {  	s6 =	sadd.s32 s25, s1;
	s9 =	ssub.s32 s7, s9;
	s31 =	sshrl.u32 s10, $0x2  }
0xc: {  	s13 =	sadd.s32 s8, s3;
	s10 =	simm.s32 $0x9;
	s25 =	simm.s32 $0x7  }
0xd: {  	s5 =	sshrl.u32 s5, $0x3;
	s8 =	smax.u32 s9, $0x1;
	s9 =	sadd.s32 s31, s3  }
0xe: {  	s24 =	sshrl.u32 @!p0 s13, $0x3;
	s1 =	sadd.s32 s5, s1;
	s5 =	sadd.s32 $0x1600, s6  }
0xf: {  	v1 =	vimm.f32 $0.0e+00;
	v0 =	vmov s4;
	s6 =	sshrl.u32 s26, $0x4;
	s26 =	simm.s32 $0x8;
	s7 =	sadd.s32 $0xB400, s1  }
.LBB2_1:
0x10: {  	s1 =	simm.s32 $0x0  }
0x11: {  	[tilespmem:s1], [sflag:$0x9] =	stream.linear.gather [hbm4b:s5+s1], $0x4E20, $0x38;
	[tilespmem:$0x1D6A0] =	vst v63  }
0x12: {  	_ =	swait.ge [sflag:s10], $0x4E20  }
0x13: {  	[sflag:s10] =	ssyncset.done $0x0  }
0x14: {  	s31 =	simm.s32 $0x0;
	[sflag:s10] =	ssyncadd.s32 $0xFFFFB1E0  }
0x15: {  	v2 =	vld [tilespmem:s31+$0x40]  }
0x16: {  	v3 =	vld [tilespmem:s31+$0x0]  }
0x17: {  	v4 =	vld [tilespmem:s31+$0x10]  }
0x18: {  	v5 =	vld [tilespmem:s31+$0x20]  }
0x19: {  	v8 =	vld [tilespmem:s31+$0x30]  }
0x1a: {  	v6 =	vand.u32 $0xFFFF, v2;
	v7 =	vshra.s32 v2, $0x10  }
0x1b: {  	v9 =	vand.u32 $0xFFFF, v3;
	v2 =	vshra.s32 v3, $0x10;
	v6 =	vadd.s32 v0, v6;
	[tilespmem:s31+$0x9C80] =	vst v7  }
0x1c: {  	v63 =	vand.u32 $0xFFFF, v4;
	v3 =	vshra.s32 v4, $0x10;
	v7 =	vadd.s32 v0, v9;
	[tilespmem:s31+$0x4E60] =	vst v6  }
0x1d: {  	v4 =	vshra.s32 v5, $0x10;
	[tilespmem:s31+$0x4E20] =	vst v7;
	v6 =	vadd.s32 v0, v63;
	v7 =	vand.u32 $0xFFFF, v5  }
0x1e: {  	s4 =	simm.s32 $0x280;
	s1 =	simm.s32 $0x50;
	v5 =	vshra.s32 v8, $0x10;
	[tilespmem:s31+$0x4E30] =	vst v6;
	v6 =	vadd.s32 v0, v7;
	v7 =	vand.u32 $0xFFFF, v8  }
.LBB2_2:
0x1f: {  	p1 =	sne.s32 s4, $0x13740;
	v8 =	vld [tilespmem:s1+$0x40];
	[tilespmem:s31+$0x4E40] =	vst v6;
	v6 =	vadd.s32 v0, v7  }
0x20: {  	v7 =	vld [tilespmem:s1+$0x0];
	[tilespmem:s31+$0x4E50] =	vst v6  }
0x21: {  	v6 =	vld [tilespmem:s1+$0x10];
	[tilespmem:s31+$0x9C40] =	vst v2  }
0x22: {  	v9 =	vld [tilespmem:s1+$0x20];
	[tilespmem:s31+$0x9C50] =	vst v3  }
0x23: {  	v10 =	vld [tilespmem:s1+$0x30];
	[tilespmem:s31+$0x9C60] =	vst v4  }
.Ltmp0:
0x24: {  	v3 =	vand.u32 $0xFFFF, v8;
	v4 =	vshra.s32 v8, $0x10;
	[tilespmem:s31+$0x9C70] =	vst v5;
	s31 =	smov.u32 s1;
	(pc) =	sbr.rel @p1 .LBB2_2-.Ltmp0, $4  }
0x25: {  	v5 =	vand.u32 $0xFFFF, v7;
	v2 =	vshra.s32 v7, $0x10;
	v7 =	vadd.s32 v0, v3;
	[tilespmem:s31+$0x9C80] =	vst v4  }
0x26: {  	v4 =	vadd.s32 v0, v5;
	v5 =	vand.u32 $0xFFFF, v6;
	v3 =	vshra.s32 v6, $0x10;
	[tilespmem:s31+$0x4E60] =	vst v7  }
0x27: {  	[tilespmem:s31+$0x4E20] =	vst v4;
	v5 =	vadd.s32 v0, v5;
	v6 =	vand.u32 $0xFFFF, v9;
	v4 =	vshra.s32 v9, $0x10  }
0x28: {  	s1 =	sshra.s32 s4, $0x2;
	s4 =	sadd.s32 $0x140, s4;
	[tilespmem:s31+$0x4E30] =	vst v5;
	v6 =	vadd.s32 v0, v6;
	v7 =	vand.u32 $0xFFFF, v10;
	v5 =	vshra.s32 v10, $0x10  }
0x29: {  	v8 =	vld [tilespmem:s1+$0x40];
	[tilespmem:s31+$0x4E40] =	vst v6;
	v52 =	vadd.s32 v0, v7  }
0x2a: {  	v53 =	vld [tilespmem:s1+$0x0];
	[tilespmem:s31+$0x4E50] =	vst v52  }
0x2b: {  	v6 =	vld [tilespmem:s1+$0x10];
	[tilespmem:s31+$0x9C40] =	vst v2  }
0x2c: {  	v2 =	vld [tilespmem:s1+$0x20];
	[tilespmem:s31+$0x9C50] =	vst v3  }
0x2d: {  	v3 =	vld [tilespmem:s1+$0x30];
	[tilespmem:s31+$0x9C60] =	vst v4  }
0x2e: {  	[tilespmem:s31+$0x9C70] =	vst v5;
	v54 =	vand.u32 $0xFFFF, v8;
	v8 =	vshra.s32 v8, $0x10  }
0x2f: {  	v4 =	vadd.s32 v0, v54;
	[tilespmem:s1+$0x9C80] =	vst v8  }
0x30: {  	v55 =	vand.u32 $0xFFFF, v53;
	v62 =	vshra.s32 v53, $0x10;
	[tilespmem:s1+$0x4E60] =	vst v4  }
0x31: {  	v5 =	vadd.s32 v0, v55;
	[tilespmem:s1+$0x9C40] =	vst v62  }
0x32: {  	v56 =	vand.u32 $0xFFFF, v6;
	v63 =	vshra.s32 v6, $0x10;
	[tilespmem:s1+$0x4E20] =	vst v5  }
0x33: {  	v57 =	vadd.s32 v0, v56;
	[tilespmem:s1+$0x9C50] =	vst v63  }
0x34: {  	v58 =	vand.u32 $0xFFFF, v2;
	v2 =	vshra.s32 v2, $0x10;
	[tilespmem:s1+$0x4E30] =	vst v57  }
0x35: {  	v59 =	vadd.s32 v0, v58;
	[tilespmem:s1+$0x9C60] =	vst v2  }
0x36: {  	v60 =	vand.u32 $0xFFFF, v3;
	v3 =	vshra.s32 v3, $0x10;
	[tilespmem:s1+$0x4E40] =	vst v59  }
0x37: {  	v61 =	vadd.s32 v0, v60;
	[tilespmem:s1+$0x9C70] =	vst v3  }
0x38: {  	s4 =	simm.s32 $0x100;
	[tilespmem:s1+$0x4E50] =	vst v61;
	s1 =	simm.s32 $0x0  }
.LBB2_4:
0x39: {  	p1 =	sne.s32 s4, $0x4F00;
	[tilespmem:s1+$0xEA90] =	vst v1;
	s13 =	smov.u32 s4;
	s4 =	sadd.s32 $0x100, s4  }
.Ltmp1:
0x3a: {  	[tilespmem:s1+$0xEA80] =	vst v1;
	(pc) =	sbr.rel @p1 .LBB2_4-.Ltmp1, $3  }
0x3b: {  	[tilespmem:s1+$0xEA60] =	vst v1  }
0x3c: {  	[tilespmem:s1+$0xEA70] =	vst v1;
	_ =	sdelay $0x1  }
0x3d: {  	s1 =	sshra.s32 s13, $0x2  }
0x3e: {  	[tilespmem:s1+$0xEA90] =	vst v1  }
0x3f: {  	[tilespmem:s1+$0xEA80] =	vst v1;
	p1 =	sne.s32 s6, $0x1  }
.Ltmp2:
0x40: {  	[tilespmem:s1+$0xEA60] =	vst v1;
	(pc) =	sbr.rel @!p1 .LBB2_7-.Ltmp2, $4  }
0x41: {  	[tilespmem:s1+$0xEA70] =	vst v1  }
0x42: {  	[spmem:s9] =	stream.linear.scatter [tilespmem:s11], [sflag:$0x9], $0x1400, $0x38;
	[tilespmem:$0x1D6A0] =	vst v63  }
0x43: {  	_ =	swait.ge [sflag:s10], $0x1400  }
0x44: {  	s1 =	sadd.s32 $0xFFFFFFFF, s6;
	s4 =	smov.u32 s9;
	[sflag:s10] =	ssyncset.done $0x0  }
.LBB2_6:
0x45: {  	p1 =	sne.s32 s1, $0x1;
	[sflag:s10] =	ssyncadd.s32 $0xFFFFEC00;
	s4 =	sadd.s32 $0x14000, s4  }
.Ltmp3:
0x46: {  	s1 =	sadd.s32 $0xFFFFFFFF, s1;
	(pc) =	sbr.rel @p1 .LBB2_6-.Ltmp3, $4  }
0x47: {  	_ = 	snop  }
0x48: {  	[spmem:s4] =	stream.linear.scatter [tilespmem:s11], [sflag:$0x9], $0x1400, $0x38;
	[tilespmem:$0x1D6A0] =	vst v63  }
0x49: {  	_ =	swait.ge [sflag:s10], $0x1400  }
0x4a: {  	[sflag:s10] =	ssyncset.done $0x0  }
.LBB2_7:
0x4b: {  	[sflag:s10] =	ssyncadd.s32 $0xFFFFEC00  }
0x4c: {  	s1 =	simm.s32 $0x4E20;
	[bflag:$0x0] =	sbarrier.arrive $0xFFFF  }
0x4d: {  	[tilespmem:s11], [sflag:$0x1] =	stream.indirect.gather [hbm4b:s0+s12], $0x40, s1, s12, $0xb8;
	[tilespmem:$0x1D6A0] =	vst v63  }
0x4e: {  	s14 =	simm.s32 $0x4E70  }
0x4f: {  	[tilespmem:s15], [sflag:$0x2] =	stream.indirect.gather [hbm4b:s0+s12], $0x40, s14, s12, $0xb8;
	[tilespmem:$0x1D6A0] =	vst v63  }
0x50: {  	s16 =	simm.s32 $0x4EC0;
	s4 =	simm.s32 $0x11260  }
0x51: {  	[tilespmem:s4], [sflag:$0x3] =	stream.indirect.gather [hbm4b:s0+s12], $0x40, s16, s12, $0xb8;
	[tilespmem:$0x1D6A0] =	vst v63  }
0x52: {  	_ =	swait.ge [sflag:s18], $0x1400  }
0x53: {  	s17 =	simm.s32 $0x9C40;
	s19 =	simm.s32 $0x4F10;
	[sflag:s18] =	ssyncset.done $0x0  }
0x54: {  	s20 =	simm.s32 $0x12660;
	s21 =	simm.s32 $0x9C90;
	[sflag:s18] =	ssyncadd.s32 $0xFFFFEC00  }
0x55: {  	[spmem:s3] =	stream.indirect.scatter.add.f32 [tilespmem:s11], [sflag:$0x5], $0x40, s17, s12, $0xb8;
	[tilespmem:$0x1D6A0] =	vst v63  }
0x56: {  	p1 =	por $0x0, $0x0;
	s13 =	simm.s32 $0x4F60;
	s1 =	simm.s32 $0x9CE0  }
0x57: {  	[tilespmem:s20], [sflag:$0x4] =	stream.indirect.gather [hbm4b:s0+s12], $0x40, s19, s12, $0xb8;
	[tilespmem:$0x1D6A0] =	vst v63  }
0x58: {  	s14 =	simm.s32 $0x2;
	s4 =	simm.s32 $0x4;
	_ =	swait.ge [sflag:s22], $0x1400  }
0x59: {  	s16 =	sand.u32 $0x3, s14;
	s4 =	sand.u32 @!p1 $0x3, s4;
	[sflag:s22] =	ssyncset.done $0x0  }
0x5a: {  	s14 =	sadd.s32 @!p1 $0x5, s4;
	s31 =	smul.u32 @!p1 $0x5000, s4;
	[sflag:s22] =	ssyncadd.s32 $0xFFFFEC00  }
0x5b: {  	[spmem:s3] =	stream.indirect.scatter.add.f32 [tilespmem:s15], [sflag:$0x6], $0x40, s21, s12, $0xb8;
	[tilespmem:$0x1D6A0] =	vst v63  }
0x5c: {  	s4 =	sadd.s32 @!p1 $0x1, s4;
	s17 =	smul.u32 $0x5000, s16;
	_ =	swait.ge @!p1 [sflag:s14], $0x1400  }
0x5d: {  	s31 =	sshrl.u32 @!p1 s31, $0x2;
	s19 =	sadd.s32 $0x1, s16;
	[sflag:s14] =	ssyncset.done @!p1 $0x0  }
0x5e: {  	s20 =	simm.s32 @!p1 $0x50;
	[sflag:s14] =	ssyncadd.s32 @!p1 $0xFFFFEC00;
	s14 =	sadd.s32 @!p1 $0xEA60, s31  }
0x5f: {  	[tilespmem:s14], [sflag:s4] =	stream.indirect.gather @!p1 [hbm4b:s0+s20], $0x40, s13, s20, $0xb8;
	[tilespmem:$0x1D6A0] =	vst v63  }
0x60: {  	s23 =	sshrl.u32 s17, $0x2;
	s16 =	sadd.s32 $0x5, s16;
	_ =	swait.ge [sflag:s19], $0x1400  }
0x61: {  	s31 =	simm.s32 $0x5;
	s4 =	simm.s32 $0x9D30;
	[sflag:s19] =	ssyncset.done $0x0  }
0x62: {  	s13 =	simm.s32 $0x4FB0;
	s14 =	sadd.s32 $0xEA60, s23;
	[sflag:s19] =	ssyncadd.s32 $0xFFFFEC00  }
.LBB2_8:
0x63: {  	[spmem:s3] =	stream.indirect.scatter.add.f32 [tilespmem:s14], [sflag:s16], $0x40, s1, s12, $0xb8;
	[tilespmem:$0x1D6A0] =	vst v63  }
0x64: {  	s1 =	sadd.s32 $0xFFFFFFFE, s31;
	s14 =	smov.u32 s31;
	s31 =	sadd.s32 $0x1, s31  }
0x65: {  	s16 =	sand.u32 $0x3, s1;
	p2 =	sgt.u32 s1, $0xF7;
	p1 =	sne.s32 s31, $0xFC  }
0x66: {  	s1 =	smov.u32 s4;
	s14 =	sand.u32 @!p2 $0x3, s14;
	s17 =	smul.u32 $0x5000, s16  }
0x67: {  	s19 =	sadd.s32 @!p2 $0x5, s14;
	s20 =	smul.u32 @!p2 $0x5000, s14;
	s14 =	sadd.s32 @!p2 $0x1, s14  }
0x68: {  	s21 =	sadd.s32 $0x1, s16;
	s17 =	sshrl.u32 s17, $0x2;
	_ =	swait.ge @!p2 [sflag:s19], $0x1400  }
0x69: {  	s23 =	simm.s32 @!p2 $0x50;
	s20 =	sshrl.u32 @!p2 s20, $0x2;
	[sflag:s19] =	ssyncset.done @!p2 $0x0  }
.Ltmp4:
0x6a: {  	[sflag:s19] =	ssyncadd.s32 @!p2 $0xFFFFEC00;
	s19 =	sadd.s32 @!p2 $0xEA60, s20;
	(pc) =	sbr.rel @p1 .LBB2_8-.Ltmp4, $4  }
0x6b: {  	[tilespmem:s19], [sflag:s14] =	stream.indirect.gather @!p2 [hbm4b:s0+s23], $0x40, s13, s23, $0xb8;
	[tilespmem:$0x1D6A0] =	vst v63  }
0x6c: {  	_ =	swait.ge [sflag:s21], $0x1400  }
0x6d: {  	s4 =	sadd.s32 $0x50, s4;
	s13 =	sadd.s32 $0x50, s13;
	[sflag:s21] =	ssyncset.done $0x0  }
0x6e: {  	s16 =	sadd.s32 $0x5, s16;
	s14 =	sadd.s32 $0xEA60, s17;
	[sflag:s21] =	ssyncadd.s32 $0xFFFFEC00  }
0x6f: {  	[spmem:s3] =	stream.indirect.scatter.add.f32 [tilespmem:s14], [sflag:s16], $0x40, s1, s12, $0xb8;
	[tilespmem:$0x1D6A0] =	vst v63  }
0x70: {  	_ =	swait.ge [sflag:s25], $0x1400  }
0x71: {  	[sflag:s25] =	ssyncset.done $0x0  }
0x72: {  	[sflag:s25] =	ssyncadd.s32 $0xFFFFEC00  }
0x73: {  	_ =	swait.ge [sflag:s26], $0x1400  }
0x74: {  	[sflag:s26] =	ssyncset.done $0x0  }
0x75: {  	[sflag:s26] =	ssyncadd.s32 $0xFFFFEC00  }
0x76: {  	_ =	swait.ge [sflag:s28], $0x1400  }
0x77: {  	[sflag:s28] =	ssyncset.done $0x0  }
0x78: {  	[sflag:s28] =	ssyncadd.s32 $0xFFFFEC00  }
0x79: {  	_ =	swait.ge [sflag:s29], $0x1400  }
0x7a: {  	[sflag:s29] =	ssyncset.done $0x0  }
0x7b: {  	s1 =	sshll.u32 @!p0 s2, $0x6;
	s30 =	sadd.s32 $0x1, s30;
	[sflag:s29] =	ssyncadd.s32 $0xFFFFEC00  }
0x7c: {  	s1 =	sor.u32 @!p0 $0x1C09, s1;
	p1 =	sne.s32 s30, s8;
	[bflag:$0x0] =	sbarrier.arrive $0xFFFF  }
0x7d: {  	[hbm:s7], [sflag:s1] =	dma.local @!p0 [spmem:s24], $0x9C40  }
.Ltmp5:
0x7e: {  	_ = 	snop;
	(pc) =	sbr.rel @p1 .LBB2_1-.Ltmp5, $4  }
0x7f: {  	s1 =	simm.s32 @!p0 $0x9  }
0x80: {  	_ =	swait.ge @!p0 [sflag:s1], $0x9C40  }
0x81: {  	[sflag:s1] =	ssyncset.done @!p0 $0x0  }
0x82: {  	[sflag:s1] =	ssyncadd.s32 @!p0 $0xFFFF63C0  }
0x83: {  	_ =	sfence.sel $0x180000  }
0x84: {  	[bflag:$0x0] =	sbarrier.arrive $0xFFFF  }
0x85: {  	_ =	strace $0x9000004A  }
0x86: {  	[bflag:$0x2] =	sbarrier.arrive $0xFFFF  }
0x87: {  	p0 =	sne.s32 s2, $0x0;
	s0 =	rddreg [dreg:$0x3]  }
0x88: {  	s0 =	sadd.s32 @!p0 $0x100000, s0  }
0x89: {  	[sflag:s0] =	ssyncadd.tile.s32 @!p0 $0x1;
	_ =	shalt  }
.Lfunc_end2:
_tile_overlayer_lowered:
.L_overlay_start_2:
0x8a: {  	(tag) =	ssettag $0x2  }
0x8b: {  	s0 =	rddreg [dreg:$0x0];
	s2 =	stileid.u32  }
0x8c: {  	s1 =	rddreg [dreg:$0x1];
	p0 =	sne.s32 s2, $0x0  }
0x8d: {  	s3 =	rddreg [dreg:$0x2];
	[bflag:$0x3] =	sbarrier.arrive $0xFFFF;
	s2 =	simm.s32 @!p0 $0x1C09  }
0x8e: {  	[timem:s3], [sflag:s2] =	dma.local @!p0 [hbm:s0], s1  }
0x8f: {  	s0 =	simm.s32 @!p0 $0x9  }
0x90: {  	_ =	swait.ge @!p0 [sflag:s0], s1  }
0x91: {  	s1 =	ssub.s32 @!p0 $0x0, s1;
	[sflag:s0] =	ssyncset.done @!p0 $0x0  }
0x92: {  	[sflag:s0] =	ssyncadd.s32 @!p0 s1  }
0x93: {  	[bflag:$0x3] =	sbarrier.arrive $0xFFFF  }
0x94: {  	_ =	shalt  }

// kernel: kernel.7.cloned.1.call-start
scs
__scs_entry_jumppad:
0x0: {  	(pc) =	sbr.rel $0x88, $3  }
0x1: {  	(tag) =	ssettag $0x0;
	lr =	simm.s32 $0x1  }
0x2: {  	[smem:$0x3F9B] =	sst lr;
	_ =	strace $0xD0000000  }
0x3: {  	_ = 	snop  }
0x4: {  	_ = 	snop  }
0x5: {  	_ = 	snop  }
0x6: {  	_ = 	snop  }
0x7: {  	_ = 	snop  }
__scs_overlays_trampoline_lowered:
0x8: {  	[smem:$0x3FAA] =	sst s0  }
0x9: {  	[smem:$0x3FAB] =	sst s1  }
0xa: {  	[smem:$0x3FAC] =	sst s2  }
0xb: {  	[smem:$0x3FAD] =	sst s3  }
0xc: {  	[smem:$0x3FAE] =	sst s4  }
0xd: {  	[smem:$0x3FAF] =	sst s5  }
0xe: {  	[smem:$0x3FB0] =	sst s6  }
0xf: {  	[smem:$0x3FB1] =	sst s7  }
0x10: {  	[smem:$0x3FB2] =	sst s8  }
0x11: {  	[smem:$0x3FB3] =	sst s9;
	s0 =	simm.s32 @!p0 $0x0  }
0x12: {  	s1 =	sld [smem:$0x3F99];
	s0 =	simm.s32 @p0 $0x1  }
0x13: {  	[smem:$0x3FB4] =	sst s0;
	s0 =	simm.s32 @!p1 $0x0  }
0x14: {  	s2 =	sld [smem:$0x3F98];
	s0 =	simm.s32 @p1 $0x1  }
0x15: {  	[smem:$0x3FB5] =	sst s0;
	s0 =	simm.s32 @!p2 $0x0  }
0x16: {  	s3 =	sld [smem:$0x3FDB];
	s0 =	simm.s32 @p2 $0x1  }
0x17: {  	s4 =	simm.s32 $0x1BF5;
	[smem:$0x3FB7] =	sst s0  }
0x18: {  	s0 =	sld [smem:$0x3F9A];
	_ =	swait.ge [sflag:s4], $0x0  }
0x19: {  	s7 =	sld [smem:$0x3F9B]  }
0x1a: {  	s8 =	sadd.s32 $0xFFFFE003, lr  }
0x1b: {  	s9 =	sadd.s32 $0xFFFFFEF7, lr;
	s5 =	simm.s32 $0xFFFFFFFF;
	p2 =	slt.u32 s8, $0xFFFFF086  }
0x1c: {  	p1 =	slt.u32 s9, $0xF7A;
	s5 =	simm.s32 @!p2 $0x0  }
0x1d: {  	s5 =	simm.s32 @p1 $0x1;
	p0 =	seq.s32 s7, s2  }
0x1e: {  	s7 =	smul.u32 @!p0 $0xF7A, s2;
	p2 =	seq.s32 @!p0 s5, $0x0  }
0x1f: {  	s9 =	smul.u32 $0xF7A, s1;
	s8 =	simm.s32 @!p0 $0x1BF5;
	p2 =	por !p2, p0  }
0x20: {  	[sflag:s8] =	ssyncset.s32 @!p0 $0xFFFFF086;
	s6 =	sadd.s32 @!p0 s3, s7;
	s7 =	simm.s32 @!p0 $0x108  }
0x21: {  	s3 =	sadd.s32 s3, s9;
	s6 =	sadd.s32 @!p0 $0x88, s6;
	s7 =	simm.s32 @p2 $0x1082  }
0x22: {  	[simem:s7], [sflag:s8] =	dma.local @!p0 [hbm:s6], $0xF7A  }
0x23: {  	s9 =	sor.u32 $0xD0000000, s2;
	s6 =	simm.s32 $0x108;
	_ =	swait.ge @!p0 [sflag:s8], $0x0  }
0x24: {  	s3 =	sadd.s32 $0x88, s3;
	s6 =	simm.s32 @!p1 $0x1082;
	[sflag:s4] =	ssyncset.s32 $0xFFFFF086  }
0x25: {  	[simem:s6], [sflag:s4] =	dma.local [hbm:s3], $0xF7A  }
0x26: {  	[smem:$0x3F9B] =	sst s1;
	(tag) =	ssettag s2;
	_ =	strace s9  }
0x27: {  	s1 =	sld [smem:$0x3FAB]  }
0x28: {  	s2 =	sld [smem:$0x3FAC]  }
0x29: {  	s4 =	sld [smem:$0x3FAE]  }
0x2a: {  	p0 =	seq.s32 s5, $0x0;
	s5 =	sld [smem:$0x3FAF]  }
0x2b: {  	s6 =	sld [smem:$0x3FB0]  }
0x2c: {  	s7 =	sld [smem:$0x3FB1]  }
0x2d: {  	s3 =	simm.s32 $0x108;
	s8 =	sld [smem:$0x3FB2]  }
0x2e: {  	s3 =	simm.s32 @!p0 $0x1082;
	s9 =	sld [smem:$0x3FB3]  }
0x2f: {  	lr =	sadd.s32 s0, s3;
	s0 =	sld [smem:$0x3FAA]  }
0x30: {  	s3 =	sld [smem:$0x3FAD]  }
0x31: {  	[smem:$0x3FB6] =	sst s10  }
0x32: {  	s10 =	sld [smem:$0x3FB4];
	_ =	sdelay $0x3  }
0x33: {  	p0 =	seq.s32 s10, $0x1;
	s10 =	sld [smem:$0x3FB6];
	_ =	sdelay $0x3  }
0x34: {  	[smem:$0x3FB6] =	sst s10  }
0x35: {  	s10 =	sld [smem:$0x3FB5];
	_ =	sdelay $0x3  }
0x36: {  	p1 =	seq.s32 s10, $0x1;
	s10 =	sld [smem:$0x3FB6];
	_ =	sdelay $0x3  }
0x37: {  	[smem:$0x3FB6] =	sst s10  }
0x38: {  	s10 =	sld [smem:$0x3FB7]  }
0x39: {  	_ = 	snop;
	(pc) =	sbr.ind lr, $3  }
0x3a: {  	_ = 	snop  }
0x3b: {  	_ = 	snop  }
0x3c: {  	p2 =	seq.s32 s10, $0x1;
	s10 =	sld [smem:$0x3FB6]  }
0x3d: {  	_ =	shalt  }
0x3e: {  	_ =	shalt  }
0x3f: {  	_ =	shalt  }
0x40: {  	_ =	shalt  }
0x41: {  	_ =	shalt  }
0x42: {  	_ =	shalt  }
0x43: {  	_ =	shalt  }
0x44: {  	_ =	shalt  }
0x45: {  	_ =	shalt  }
0x46: {  	_ =	shalt  }
0x47: {  	_ =	shalt  }
0x48: {  	_ =	shalt  }
0x49: {  	_ =	shalt  }
0x4a: {  	_ =	shalt  }
0x4b: {  	_ =	shalt  }
0x4c: {  	_ =	shalt  }
0x4d: {  	_ =	shalt  }
0x4e: {  	_ =	shalt  }
0x4f: {  	_ =	shalt  }
0x50: {  	_ =	shalt  }
0x51: {  	_ =	shalt  }
0x52: {  	_ =	shalt  }
0x53: {  	_ =	shalt  }
0x54: {  	_ =	shalt  }
0x55: {  	_ =	shalt  }
0x56: {  	_ =	shalt  }
0x57: {  	_ =	shalt  }
0x58: {  	_ =	shalt  }
0x59: {  	_ =	shalt  }
0x5a: {  	_ =	shalt  }
0x5b: {  	_ =	shalt  }
0x5c: {  	_ =	shalt  }
0x5d: {  	_ =	shalt  }
0x5e: {  	_ =	shalt  }
0x5f: {  	_ =	shalt  }
0x60: {  	_ =	shalt  }
0x61: {  	_ =	shalt  }
0x62: {  	_ =	shalt  }
0x63: {  	_ =	shalt  }
0x64: {  	_ =	shalt  }
0x65: {  	_ =	shalt  }
0x66: {  	_ =	shalt  }
0x67: {  	_ =	shalt  }
0x68: {  	_ =	shalt  }
0x69: {  	_ =	shalt  }
0x6a: {  	_ =	shalt  }
0x6b: {  	_ =	shalt  }
0x6c: {  	_ =	shalt  }
0x6d: {  	_ =	shalt  }
0x6e: {  	_ =	shalt  }
0x6f: {  	_ =	shalt  }
0x70: {  	_ =	shalt  }
0x71: {  	_ =	shalt  }
0x72: {  	_ =	shalt  }
0x73: {  	_ =	shalt  }
0x74: {  	_ =	shalt  }
0x75: {  	_ =	shalt  }
0x76: {  	_ =	shalt  }
0x77: {  	_ =	shalt  }
0x78: {  	_ =	shalt  }
0x79: {  	_ =	shalt  }
0x7a: {  	_ =	shalt  }
0x7b: {  	_ =	shalt  }
0x7c: {  	_ =	shalt  }
0x7d: {  	_ =	shalt  }
0x7e: {  	_ =	shalt  }
0x7f: {  	_ =	shalt  }
0x80: {  	_ =	shalt  }
0x81: {  	_ =	shalt  }
0x82: {  	_ =	shalt  }
0x83: {  	_ =	shalt  }
0x84: {  	_ =	shalt  }
0x85: {  	_ =	shalt  }
0x86: {  	_ =	shalt  }
0x87: {  	_ =	shalt  }
.Lfunc_end0:
.L_simem_size_0:
called_computation_lowered:
.L_overlay_start_0:
0x88: {  	s2 =	sld [smem:$0x3FD9]  }
0x89: {  	s3 =	sld [smem:$0x3FFE];
	_ =	sdelay $0x1  }
0x8a: {  	s1 =	srdreg.scid  }
0x8b: {  	s0 =	sand.u32 $0x1, s1  }
0x8c: {  	s17 =	sshll.u32 s0, $0xA;
	s2 =	sadd.s32 s3, s2  }
0x8d: {  	s2 =	sadd.s32 s2, s17  }
0x8e: {  	[smem:$0x3FC2] =	sst s2  }
0x8f: {  	_ = 	snop  }
0x90: {  	s2 =	sld [smem:$0x3FD0];
	(tm) =	ssettm $0x1  }
0x91: {  	s18 =	sld [smem:$0x3FFB];
	_ =	sdelay $0x3  }
0x92: {  	_ =	strace s18  }
0x93: {  	s3 =	sld [smem:$0x3FFC];
	_ =	sdelay $0x3  }
0x94: {  	_ =	strace s3  }
0x95: {  	s3 =	sld [smem:$0x3FFD];
	_ =	sdelay $0x3  }
0x96: {  	_ =	strace s3  }
0x97: {  	_ =	strace $0x8FFFFFFF  }
0x98: {  	s19 =	sld [smem:$0x3FDB];
	_ =	sdelay $0x1  }
0x99: {  	s4 =	simm.s32 $_scs_section_size  }
0x9a: {  	s5 =	simm.s32 $_size__tile_overlayer_lowered;
	s6 =	simm.s32 $_tile_overlayer_lowered  }
0x9b: {  	s22 =	simm.s32 $0x1BFF;
	s21 =	sshll.u32 s6, $0x1;
	s3 =	sadd.s32 s4, s19  }
0x9c: {  	s7 =	simm.s32 $0x0;
	s20 =	sshll.u32 s5, $0x1;
	s5 =	sadd.s32 s21, s3  }
0x9d: {  	[timem:s7], [sflag:s22] =	dma.local [hbm:s5], s20  }
0x9e: {  	_ =	swait.ge [sflag:s22], s20  }
0x9f: {  	s4 =	ssub.s32 $0x0, s20;
	[sflag:s22] =	ssyncset.done $0x0  }
0xa0: {  	[sflag:s22] =	ssyncadd.s32 s4;
	_ =	sdelay $0x1  }
0xa1: {  	s23 =	simm.s32 $0x1B8B  }
0xa2: {  	_ =	swait.ge [sflag:s23], $0x1  }
0xa3: {  	[sflag:s23] =	ssyncset.done $0x0  }
0xa4: {  	s25 =	simm.s32 $0x1B8E;
	s24 =	sld [smem:$0x3FFE];
	[sflag:s23] =	ssyncadd.s32 $0xFFFFFFFF  }
0xa5: {  	s26 =	simm.s32 $execute0_lowered;
	[smem:$0x3FD2] =	sst s25  }
0xa6: {  	s5 =	sshll.u32 s26, $0x1;
	_ =	strace $0x80000046;
	[dreg:$0x1] =	wrdreg $0xFFFFFFFF  }
0xa7: {  	s28 =	simm.s32 $_size_execute0_lowered;
	s3 =	sadd.s32 s3, s5;
	[dreg:$0x0] =	wrdreg $0x0  }
0xa8: {  	s5 =	sshll.u32 s28, $0x1;
	[dreg:$0x2] =	wrdreg s3  }
0xa9: {  	[dreg:$0x3] =	wrdreg s5  }
0xaa: {  	[dreg:$0x4] =	wrdreg $0xC0  }
0xab: {  	_ =	task [dreg:s7], $0x5FFFF  }
0xac: {  	[dreg:$0x1] =	wrdreg $0xFFFFFFFF  }
0xad: {  	[dreg:$0x0] =	wrdreg $0x60  }
0xae: {  	[dreg:$0x2] =	wrdreg s2  }
0xaf: {  	[dreg:$0x3] =	wrdreg s24  }
0xb0: {  	[dreg:$0x4] =	wrdreg $0x13CE00  }
0xb1: {  	[dreg:$0x5] =	wrdreg $0x1D9200  }
0xb2: {  	[dreg:$0x6] =	wrdreg $0x9  }
0xb3: {  	_ =	task.clear_ibuf [dreg:s7], $0x7FFFF;
	_ =	strace $0x90000046  }
0xb4: {  	s29 =	simm.s32 $0x9;
	_ =	strace $0x80000048  }
0xb5: {  	_ =	swait.ge [sflag:s29], $0x1  }
0xb6: {  	[sflag:s29] =	ssyncadd.s32 $0xFFFFFFFF  }
0xb7: {  	_ =	strace $0x90000048  }
0xb8: {  	_ =	sfence  }
0xb9: {  	s30 =	sld [smem:$0x0];
	_ =	sdelay $0x2  }
0xba: {  	s31 =	sshll.u32 s1, $0xD;
	s1 =	sshrl.u32 s1, $0x2  }
0xbb: {  	s3 =	sand.u32 $0x4000, s31;
	s1 =	sadd.s32 s1, s30  }
0xbc: {  	s0 =	sor.u32 s3, s0;
	s1 =	sshll.u32 s1, $0x11  }
0xbd: {  	s0 =	sor.u32 s1, s0  }
0xbe: {  	s0 =	sadd.s32 $0x8F2B, s0  }
0xbf: {  	[sflag:s0] =	ssyncadd.remote.s32 $0x1  }
0xc0: {  	_ =	sfence.sel $0xFFFF  }
0xc1: {  	[dreg:$0x0] =	wrdreg $0xFFFFFFFF;
	(pc) =	sbr.abs _section_cstart, $3  }
0xc2: {  	[dreg:$0x1] =	wrdreg $0xFFFFFFFF  }
0xc3: {  	_ =	task.clear_ibuf [dreg:s7], $0x2FFFF;
	_ =	strace $0x9FFFFFFF  }
0xc4: {  	(tm) =	ssettm $0x7FFFFFFF  }
0xc5: {  	_ =	shalt  }
tec
execute0_lowered:
.L_overlay_start_1:
0x0: {  	(tag) =	ssettag $0x1  }
0x1: {  	s1 =	rddreg [dreg:$0x0]  }
0x2: {  	s11 =	stileid.u32;
	s2 =	rddreg [dreg:$0x1]  }
0x3: {  	s0 =	srdreg.scid;
	s4 =	rddreg [dreg:$0x2]  }
0x4: {  	s5 =	rddreg [dreg:$0x3];
	s12 =	simm.s32 $0x0;
	s16 =	simm.s32 $0xA  }
0x5: {  	s18 =	simm.s32 $0xEA60;
	s19 =	simm.s32 $0x50;
	s6 =	smul.u32 $0x9C4, s11  }
0x6: {  	s28 =	simm.s32 $0x1;
	s20 =	simm.s32 $0x7;
	s8 =	smul.u32 $0x4E200, s11  }
0x7: {  	s21 =	simm.s32 $0x8;
	s29 =	simm.s32 $0x9;
	s13 =	smul.u32 $0x9C40, s11  }
0x8: {  	s30 =	simm.s32 $0x0;
	s3 =	sand.u32 $0x1, s0;
	s25 =	smul.u32 $0x5000, s11  }
0x9: {  	[smem:$0x7FF] =	sst s12;
	s7 =	sadd.s32 $0x59800, s2;
	s26 =	smul.u32 $0xA00, s11  }
0xa: {  	s10 =	sadd.s32 $0x59600, s2;
	s24 =	ssub.s32 $0x8C, s11;
	s0 =	smul.u32 $0x9C400, s3  }
0xb: {  	p1 =	sgt.u32 s11, $0x1;
	s9 =	smul.u32 $0x13880, s3;
	_ =	strace $0x80000047  }
0xc: {  	[dreg:$0x5] =	wrdreg s10;
	s22 =	ssub.s32 $0x2, s3;
	s17 =	smul.u32 $0x2710, s3  }
0xd: {  	s10 =	sshrl.u32 s24, $0x4;
	p0 =	sne.s32 s3, $0x0;
	p2 =	seq.s32 s3, $0x0  }
0xe: {  	s6 =	sadd.s32 s6, s2;
	s23 =	sshrl.u32 s22, $0x1;
	s31 =	sshrl.u32 s26, $0x2  }
0xf: {  	s26 =	simm.s32 $0x6;
	s0 =	sadd.s32 s8, s0;
	s9 =	sadd.s32 s13, s9  }
0x10: {  	s6 =	sadd.s32 $0x1600, s6;
	s15 =	sadd.s32 s31, s5;
	s0 =	sshrl.u32 s0, $0x3  }
0x11: {  	s9 =	sshrl.u32 s9, $0x3;
	[dreg:$0x6] =	wrdreg s6;
	s0 =	sadd.s32 s0, s2  }
0x12: {  	s6 =	sshrl.u32 s25, $0x2;
	s2 =	sadd.s32 s9, s2;
	s0 =	sadd.s32 $0x59A00, s0  }
0x13: {  	s9 =	ssub.s32 s22, s23;
	s2 =	sadd.s32 $0x80C00, s2;
	[dreg:$0x7] =	wrdreg s0  }
0x14: {  	s9 =	smax.u32 s9, $0x1;
	s0 =	sadd.s32 s8, s4;
	[dreg:$0x8] =	wrdreg s2  }
0x15: {  	s2 =	sadd.s32 s13, s5;
	[dreg:$0x9] =	wrdreg s9;
	s0 =	sshrl.u32 @!p1 s0, $0x3  }
0x16: {  	s25 =	simm.s32 $0x5;
	[dreg:$0xa] =	wrdreg s0;
	s0 =	sshrl.u32 @!p1 s2, $0x3  }
0x17: {  	v1 =	vimm.f32 $0.0e+00;
	v0 =	vmov s17;
	s14 =	sadd.s32 s6, s4;
	s2 =	simm.s32 $0x2;
	[dreg:$0xb] =	wrdreg s0  }
.LBB2_1:
0x18: {  	s0 =	rddreg [dreg:$0x6]  }
0x19: {  	[tilespmem:s12], [sflag:$0xA] =	stream.linear.gather [hbm4b:s0+s12], $0x4E20, $0x38;
	[tilespmem:$0x1ECA8] =	vst v63  }
0x1a: {  	_ =	swait.ge [sflag:s16], $0x4E20  }
0x1b: {  	[sflag:s16] =	ssyncset.done $0x0  }
0x1c: {  	s17 =	simm.s32 $0x0;
	[sflag:s16] =	ssyncadd.s32 $0xFFFFB1E0  }
0x1d: {  	v2 =	vld [tilespmem:s17+$0x40]  }
0x1e: {  	v3 =	vld [tilespmem:s17+$0x0]  }
0x1f: {  	v4 =	vld [tilespmem:s17+$0x10]  }
0x20: {  	v5 =	vld [tilespmem:s17+$0x20]  }
0x21: {  	v8 =	vld [tilespmem:s17+$0x30]  }
0x22: {  	v6 =	vand.u32 $0xFFFF, v2;
	v7 =	vshra.s32 v2, $0x10  }
0x23: {  	v9 =	vand.u32 $0xFFFF, v3;
	v2 =	vshra.s32 v3, $0x10;
	v6 =	vadd.s32 v0, v6;
	[tilespmem:s17+$0x9C80] =	vst v7  }
0x24: {  	v63 =	vand.u32 $0xFFFF, v4;
	v3 =	vshra.s32 v4, $0x10;
	v7 =	vadd.s32 v0, v9;
	[tilespmem:s17+$0x4E60] =	vst v6  }
0x25: {  	v4 =	vshra.s32 v5, $0x10;
	[tilespmem:s17+$0x4E20] =	vst v7;
	v6 =	vadd.s32 v0, v63;
	v7 =	vand.u32 $0xFFFF, v5  }
0x26: {  	s6 =	simm.s32 $0x280;
	s0 =	simm.s32 $0x50;
	v5 =	vshra.s32 v8, $0x10;
	[tilespmem:s17+$0x4E30] =	vst v6;
	v6 =	vadd.s32 v0, v7;
	v7 =	vand.u32 $0xFFFF, v8  }
.LBB2_2:
0x27: {  	p3 =	sne.s32 s6, $0x13740;
	v8 =	vld [tilespmem:s0+$0x40];
	[tilespmem:s17+$0x4E40] =	vst v6;
	v6 =	vadd.s32 v0, v7  }
0x28: {  	v7 =	vld [tilespmem:s0+$0x0];
	[tilespmem:s17+$0x4E50] =	vst v6  }
0x29: {  	v6 =	vld [tilespmem:s0+$0x10];
	[tilespmem:s17+$0x9C40] =	vst v2  }
0x2a: {  	v9 =	vld [tilespmem:s0+$0x20];
	[tilespmem:s17+$0x9C50] =	vst v3  }
0x2b: {  	v10 =	vld [tilespmem:s0+$0x30];
	[tilespmem:s17+$0x9C60] =	vst v4  }
.Ltmp0:
0x2c: {  	v3 =	vand.u32 $0xFFFF, v8;
	v4 =	vshra.s32 v8, $0x10;
	[tilespmem:s17+$0x9C70] =	vst v5;
	s17 =	smov.u32 s0;
	(pc) =	sbr.rel @p3 .LBB2_2-.Ltmp0, $4  }
0x2d: {  	v5 =	vand.u32 $0xFFFF, v7;
	v2 =	vshra.s32 v7, $0x10;
	v7 =	vadd.s32 v0, v3;
	[tilespmem:s17+$0x9C80] =	vst v4  }
0x2e: {  	v4 =	vadd.s32 v0, v5;
	v5 =	vand.u32 $0xFFFF, v6;
	v3 =	vshra.s32 v6, $0x10;
	[tilespmem:s17+$0x4E60] =	vst v7  }
0x2f: {  	[tilespmem:s17+$0x4E20] =	vst v4;
	v5 =	vadd.s32 v0, v5;
	v6 =	vand.u32 $0xFFFF, v9;
	v4 =	vshra.s32 v9, $0x10  }
0x30: {  	s0 =	sshra.s32 s6, $0x2;
	s6 =	sadd.s32 $0x140, s6;
	[tilespmem:s17+$0x4E30] =	vst v5;
	v6 =	vadd.s32 v0, v6;
	v7 =	vand.u32 $0xFFFF, v10;
	v5 =	vshra.s32 v10, $0x10  }
0x31: {  	v8 =	vld [tilespmem:s0+$0x40];
	[tilespmem:s17+$0x4E40] =	vst v6;
	v52 =	vadd.s32 v0, v7  }
0x32: {  	v53 =	vld [tilespmem:s0+$0x0];
	[tilespmem:s17+$0x4E50] =	vst v52  }
0x33: {  	v6 =	vld [tilespmem:s0+$0x10];
	[tilespmem:s17+$0x9C40] =	vst v2  }
0x34: {  	v2 =	vld [tilespmem:s0+$0x20];
	[tilespmem:s17+$0x9C50] =	vst v3  }
0x35: {  	v3 =	vld [tilespmem:s0+$0x30];
	[tilespmem:s17+$0x9C60] =	vst v4  }
0x36: {  	[tilespmem:s17+$0x9C70] =	vst v5;
	v54 =	vand.u32 $0xFFFF, v8;
	v8 =	vshra.s32 v8, $0x10  }
0x37: {  	v4 =	vadd.s32 v0, v54;
	[tilespmem:s0+$0x9C80] =	vst v8  }
0x38: {  	v55 =	vand.u32 $0xFFFF, v53;
	v62 =	vshra.s32 v53, $0x10;
	[tilespmem:s0+$0x4E60] =	vst v4  }
0x39: {  	v5 =	vadd.s32 v0, v55;
	[tilespmem:s0+$0x9C40] =	vst v62  }
0x3a: {  	v56 =	vand.u32 $0xFFFF, v6;
	v63 =	vshra.s32 v6, $0x10;
	[tilespmem:s0+$0x4E20] =	vst v5  }
0x3b: {  	v57 =	vadd.s32 v0, v56;
	[tilespmem:s0+$0x9C50] =	vst v63  }
0x3c: {  	v58 =	vand.u32 $0xFFFF, v2;
	v2 =	vshra.s32 v2, $0x10;
	[tilespmem:s0+$0x4E30] =	vst v57  }
0x3d: {  	v59 =	vadd.s32 v0, v58;
	[tilespmem:s0+$0x9C60] =	vst v2  }
0x3e: {  	v60 =	vand.u32 $0xFFFF, v3;
	v3 =	vshra.s32 v3, $0x10;
	[tilespmem:s0+$0x4E40] =	vst v59  }
0x3f: {  	v61 =	vadd.s32 v0, v60;
	[tilespmem:s0+$0x9C70] =	vst v3  }
0x40: {  	s6 =	simm.s32 $0x100;
	[tilespmem:s0+$0x4E50] =	vst v61;
	s0 =	simm.s32 $0x0  }
.LBB2_4:
0x41: {  	p3 =	sne.s32 s6, $0x4F00;
	[tilespmem:s0+$0xEA90] =	vst v1;
	s8 =	smov.u32 s6;
	s6 =	sadd.s32 $0x100, s6  }
.Ltmp1:
0x42: {  	[tilespmem:s0+$0xEA80] =	vst v1;
	(pc) =	sbr.rel @p3 .LBB2_4-.Ltmp1, $3  }
0x43: {  	[tilespmem:s0+$0xEA60] =	vst v1  }
0x44: {  	[tilespmem:s0+$0xEA70] =	vst v1;
	_ =	sdelay $0x1  }
0x45: {  	s0 =	sshra.s32 s8, $0x2  }
0x46: {  	[tilespmem:s0+$0xEA90] =	vst v1  }
0x47: {  	[tilespmem:s0+$0xEA80] =	vst v1  }
0x48: {  	[tilespmem:s0+$0xEA60] =	vst v1  }
0x49: {  	[tilespmem:s0+$0xEA70] =	vst v1;
	s22 =	rddreg [dreg:$0x5];
	s6 =	simm.s32 $0x13A60  }
0x4a: {  	[tilespmem:s6], [sflag:$0xA] =	stream.linear.gather [hbm4b:s22+s12], $0x280, $0x38;
	[tilespmem:$0x1ECA8] =	vst v63  }
0x4b: {  	_ =	swait.ge [sflag:s16], $0x280  }
0x4c: {  	[sflag:s16] =	ssyncset.done $0x0  }
0x4d: {  	[sflag:s16] =	ssyncadd.s32 $0xFFFFFD80  }
0x4e: {  	[spmem:s14] =	stream.linear.scatter [tilespmem:s18], [sflag:$0xA], $0x1400, $0x38;
	[tilespmem:$0x1ECA8] =	vst v63  }
0x4f: {  	s23 =	stileid.u32;
	p3 =	sne.s32 s10, $0x1;
	_ =	swait.ge [sflag:s16], $0x1400  }
.Ltmp2:
0x50: {  	s0 =	sshll.u32 s23, $0x6;
	[sflag:s16] =	ssyncset.done $0x0;
	(pc) =	sbr.rel @!p3 .LBB2_7-.Ltmp2, $4  }
0x51: {  	s24 =	sshrl.u32 s15, $0x3;
	s31 =	sor.u32 $0x1C0A, s0;
	[sflag:s16] =	ssyncadd.s32 $0xFFFFEC00  }
0x52: {  	[spmem:s24], [sflag:s31] =	dma.local [hbm:s7], $0x50  }
0x53: {  	s8 =	smov.u32 s14;
	_ =	swait.ge [sflag:s16], $0x50  }
0x54: {  	s17 =	smov.u32 s15;
	s6 =	sadd.s32 $0xFFFFFFFF, s10;
	[sflag:s16] =	ssyncset.done $0x0  }
.LBB2_6:
0x55: {  	[sflag:s16] =	ssyncadd.s32 $0xFFFFFFB0;
	s8 =	sadd.s32 $0x14000, s8;
	s17 =	sadd.s32 $0x2800, s17  }
0x56: {  	[spmem:s8] =	stream.linear.scatter [tilespmem:s18], [sflag:$0xA], $0x1400, $0x38;
	[tilespmem:$0x1ECA8] =	vst v63  }
0x57: {  	p3 =	sne.s32 s6, $0x1;
	s6 =	sadd.s32 $0xFFFFFFFF, s6;
	_ =	swait.ge [sflag:s16], $0x1400  }
.Ltmp3:
0x58: {  	[sflag:s16] =	ssyncset.done $0x0;
	(pc) =	sbr.rel @p3 .LBB2_6-.Ltmp3, $4  }
0x59: {  	s31 =	sor.u32 $0x1C0A, s0;
	s9 =	sshrl.u32 s17, $0x3;
	[sflag:s16] =	ssyncadd.s32 $0xFFFFEC00  }
0x5a: {  	[spmem:s9], [sflag:s31] =	dma.local [hbm:s7], $0x50  }
0x5b: {  	_ =	swait.ge [sflag:s16], $0x50  }
0x5c: {  	[sflag:s16] =	ssyncset.done $0x0  }
.LBB2_7:
0x5d: {  	[sflag:s16] =	ssyncadd.s32 $0xFFFFFFB0  }
0x5e: {  	s0 =	simm.s32 $0x4E20;
	[bflag:$0x0] =	sbarrier.arrive $0xFFFF  }
0x5f: {  	[tilespmem:s18], [sflag:$0x1] =	stream.indirect.gather [hbm4b:s1+s19], $0x40, s0, s19, $0xb8;
	[tilespmem:$0x1ECA8] =	vst v63  }
0x60: {  	s23 =	simm.s32 $0x4E70;
	s9 =	simm.s32 $0xFE60  }
0x61: {  	[tilespmem:s9], [sflag:$0x2] =	stream.indirect.gather [hbm4b:s1+s19], $0x40, s23, s19, $0xb8;
	[tilespmem:$0x1ECA8] =	vst v63  }
0x62: {  	s24 =	simm.s32 $0x4EC0;
	s6 =	simm.s32 $0x11260  }
0x63: {  	[tilespmem:s6], [sflag:$0x3] =	stream.indirect.gather [hbm4b:s1+s19], $0x40, s24, s19, $0xb8;
	[tilespmem:$0x1ECA8] =	vst v63  }
0x64: {  	_ =	swait.ge [sflag:s28], $0x1400  }
0x65: {  	[sflag:s28] =	ssyncset.done $0x0  }
0x66: {  	s6 =	simm.s32 $0x9C40;
	[sflag:s28] =	ssyncadd.s32 $0xFFFFEC00  }
0x67: {  	[spmem:s4] =	stream.indirect.scatter.add.f32 [tilespmem:s18], [sflag:$0x5], $0x40, s6, s19, $0xb8;
	[tilespmem:$0x1ECA8] =	vst v63  }
0x68: {  	s8 =	simm.s32 @!p0 $0x13A60;
	s0 =	simm.s32 @!p0 $0x50;
	s6 =	simm.s32 @!p0 $0x9C40  }
0x69: {  	[spmem:s5] =	stream.indirect.scatter.add.f32 @!p0 [tilespmem:s8], [sflag:$0x9], $0x8, s6, s0, $0xb8;
	[tilespmem:$0x1ECA8] =	vst v63  }
0x6a: {  	s11 =	simm.s32 $0x12660;
	s8 =	simm.s32 $0x4F10  }
0x6b: {  	[tilespmem:s11], [sflag:$0x4] =	stream.indirect.gather [hbm4b:s1+s19], $0x40, s8, s19, $0xb8;
	[tilespmem:$0x1ECA8] =	vst v63  }
0x6c: {  	_ =	swait.ge [sflag:s2], $0x1400  }
0x6d: {  	[sflag:s2] =	ssyncset.done $0x0  }
0x6e: {  	s12 =	simm.s32 $0x9C90;
	s17 =	simm.s32 $0x2;
	[sflag:s2] =	ssyncadd.s32 $0xFFFFEC00  }
0x6f: {  	[spmem:s4] =	stream.indirect.scatter.add.f32 [tilespmem:s9], [sflag:$0x6], $0x40, s12, s19, $0xb8;
	[tilespmem:$0x1ECA8] =	vst v63  }
0x70: {  	s0 =	simm.s32 @!p2 $0x50;
	s6 =	simm.s32 @!p2 $0x9C90;
	s8 =	simm.s32 @!p2 $0x13A60  }
0x71: {  	[spmem:s5] =	stream.indirect.scatter.add.f32 @!p2 [tilespmem:s8], [sflag:$0x9], $0x8, s6, s0, $0xb8;
	[tilespmem:$0x1ECA8] =	vst v63  }
0x72: {  	p3 =	por $0x0, $0x0;
	s13 =	sand.u32 $0x3, s17;
	s0 =	simm.s32 $0x4  }
0x73: {  	s22 =	smul.u32 $0x5000, s13;
	s0 =	sand.u32 @!p3 $0x3, s0  }
0x74: {  	s23 =	sadd.s32 $0x1, s13;
	s6 =	sadd.s32 @!p3 $0x5, s0;
	s8 =	smul.u32 @!p3 $0x5000, s0  }
0x75: {  	s24 =	sand.u32 $0x1, s17;
	s9 =	simm.s32 $0x4F60;
	_ =	swait.ge @!p3 [sflag:s6], $0x1400  }
0x76: {  	s0 =	sadd.s32 @!p3 $0x1, s0;
	[sflag:s6] =	ssyncset.done @!p3 $0x0;
	s8 =	sshrl.u32 @!p3 s8, $0x2  }
0x77: {  	[sflag:s6] =	ssyncadd.s32 @!p3 $0xFFFFEC00;
	s6 =	sadd.s32 @!p3 $0xEA60, s8;
	s8 =	simm.s32 @!p3 $0x50  }
0x78: {  	[tilespmem:s6], [sflag:s0] =	stream.indirect.gather @!p3 [hbm4b:s1+s8], $0x40, s9, s8, $0xb8;
	[tilespmem:$0x1ECA8] =	vst v63  }
0x79: {  	p4 =	sne.s32 s24, s3;
	_ =	swait.ge [sflag:s23], $0x1400  }
0x7a: {  	s11 =	simm.s32 $0x9CE0;
	s6 =	sshrl.u32 s22, $0x2;
	[sflag:s23] =	ssyncset.done $0x0  }
0x7b: {  	s0 =	sadd.s32 $0x5, s13;
	s6 =	sadd.s32 $0xEA60, s6;
	[sflag:s23] =	ssyncadd.s32 $0xFFFFEC00  }
0x7c: {  	[spmem:s4] =	stream.indirect.scatter.add.f32 [tilespmem:s6], [sflag:s0], $0x40, s11, s19, $0xb8;
	[tilespmem:$0x1ECA8] =	vst v63  }
0x7d: {  	s9 =	simm.s32 @!p4 $0x9;
	s0 =	simm.s32 @!p4 $0x50;
	s6 =	simm.s32 @!p4 $0x13A60  }
0x7e: {  	[spmem:s5] =	stream.indirect.scatter.add.f32 @!p4 [tilespmem:s6], [sflag:$0x9], $0x8, s11, s0, $0xb8;
	[tilespmem:$0x1ECA8] =	vst v63  }
0x7f: {  	s17 =	simm.s32 $0x9D30;
	s8 =	simm.s32 $0x5;
	_ =	swait.ge @!p4 [sflag:s9], $0x280  }
0x80: {  	s6 =	simm.s32 $0x6;
	s0 =	simm.s32 $0x4FB0;
	[sflag:s9] =	ssyncset.done @!p4 $0x0  }
.LBB2_8:
0x81: {  	s11 =	sadd.s32 $0xFFFFFFFE, s8  }
0x82: {  	[sflag:s9] =	ssyncadd.s32 @!p4 $0xFFFFFD80;
	s9 =	smov.u32 s6;
	s6 =	sadd.s32 $0x1, s6  }
0x83: {  	s12 =	sand.u32 $0x3, s11;
	p4 =	sgt.u32 s11, $0xF7;
	s11 =	sand.u32 $0x1, s11  }
0x84: {  	p3 =	sne.s32 s6, $0xFC;
	s8 =	sand.u32 @!p4 $0x3, s8;
	s13 =	smul.u32 $0x5000, s12  }
0x85: {  	s22 =	sadd.s32 @!p4 $0x5, s8;
	s23 =	smul.u32 @!p4 $0x5000, s8;
	s24 =	sadd.s32 @!p4 $0x1, s8  }
0x86: {  	s8 =	smov.u32 s9;
	_ =	swait.ge @!p4 [sflag:s22], $0x1400;
	s13 =	sshrl.u32 s13, $0x2  }
0x87: {  	[sflag:s22] =	ssyncset.done @!p4 $0x0;
	s9 =	sshrl.u32 @!p4 s23, $0x2;
	s23 =	sadd.s32 $0x1, s12  }
0x88: {  	[sflag:s22] =	ssyncadd.s32 @!p4 $0xFFFFEC00;
	s9 =	sadd.s32 @!p4 $0xEA60, s9;
	s22 =	simm.s32 @!p4 $0x50  }
0x89: {  	[tilespmem:s9], [sflag:s24] =	stream.indirect.gather @!p4 [hbm4b:s1+s22], $0x40, s0, s22, $0xb8;
	[tilespmem:$0x1ECA8] =	vst v63  }
0x8a: {  	_ =	swait.ge [sflag:s23], $0x1400  }
0x8b: {  	p4 =	sne.s32 s11, s3;
	[sflag:s23] =	ssyncset.done $0x0  }
0x8c: {  	s9 =	sadd.s32 $0xEA60, s13;
	s11 =	sadd.s32 $0x5, s12;
	[sflag:s23] =	ssyncadd.s32 $0xFFFFEC00  }
0x8d: {  	[spmem:s4] =	stream.indirect.scatter.add.f32 [tilespmem:s9], [sflag:s11], $0x40, s17, s19, $0xb8;
	[tilespmem:$0x1ECA8] =	vst v63  }
.Ltmp4:
0x8e: {  	_ = 	snop;
	(pc) =	sbr.rel @p3 .LBB2_8-.Ltmp4, $4  }
0x8f: {  	s12 =	simm.s32 @!p4 $0x13A60;
	s11 =	simm.s32 @!p4 $0x50;
	s9 =	simm.s32 @!p4 $0x9  }
0x90: {  	[spmem:s5] =	stream.indirect.scatter.add.f32 @!p4 [tilespmem:s12], [sflag:$0x9], $0x8, s17, s11, $0xb8;
	[tilespmem:$0x1ECA8] =	vst v63  }
0x91: {  	_ =	swait.ge @!p4 [sflag:s9], $0x280  }
0x92: {  	s0 =	sadd.s32 $0x50, s0;
	s17 =	sadd.s32 $0x50, s17;
	[sflag:s9] =	ssyncset.done @!p4 $0x0  }
0x93: {  	s6 =	sadd.s32 $0xFFFFFFFE, s8  }
0x94: {  	p3 =	sgt.u32 s6, $0xF7  }
0x95: {  	[sflag:s9] =	ssyncadd.s32 @!p4 $0xFFFFFD80;
	s8 =	sand.u32 @!p3 $0x3, s8  }
0x96: {  	s24 =	sand.u32 $0x3, s6;
	s11 =	sadd.s32 @!p3 $0x5, s8;
	s12 =	smul.u32 @!p3 $0x5000, s8  }
0x97: {  	s13 =	smul.u32 $0x5000, s24;
	s22 =	sadd.s32 $0x1, s24;
	_ =	swait.ge @!p3 [sflag:s11], $0x1400  }
0x98: {  	s8 =	sadd.s32 @!p3 $0x1, s8;
	[sflag:s11] =	ssyncset.done @!p3 $0x0;
	s12 =	sshrl.u32 @!p3 s12, $0x2  }
0x99: {  	[sflag:s11] =	ssyncadd.s32 @!p3 $0xFFFFEC00;
	s11 =	sadd.s32 @!p3 $0xEA60, s12;
	s12 =	simm.s32 @!p3 $0x50  }
0x9a: {  	[tilespmem:s11], [sflag:s8] =	stream.indirect.gather @!p3 [hbm4b:s1+s12], $0x40, s0, s12, $0xb8;
	[tilespmem:$0x1ECA8] =	vst v63  }
0x9b: {  	s24 =	sadd.s32 $0x5, s24;
	_ =	swait.ge [sflag:s22], $0x1400  }
0x9c: {  	s13 =	sshrl.u32 s13, $0x2;
	s12 =	sand.u32 $0x1, s6;
	[sflag:s22] =	ssyncset.done $0x0  }
0x9d: {  	s23 =	sadd.s32 $0xEA60, s13;
	p3 =	sne.s32 s12, s3;
	[sflag:s22] =	ssyncadd.s32 $0xFFFFEC00  }
0x9e: {  	[spmem:s4] =	stream.indirect.scatter.add.f32 [tilespmem:s23], [sflag:s24], $0x40, s17, s19, $0xb8;
	[tilespmem:$0x1ECA8] =	vst v63  }
0x9f: {  	s0 =	simm.s32 @!p3 $0x50;
	s6 =	simm.s32 @!p3 $0x13A60;
	s8 =	simm.s32 @!p3 $0x9  }
0xa0: {  	[spmem:s5] =	stream.indirect.scatter.add.f32 @!p3 [tilespmem:s6], [sflag:$0x9], $0x8, s17, s0, $0xb8;
	[tilespmem:$0x1ECA8] =	vst v63  }
0xa1: {  	_ =	swait.ge @!p3 [sflag:s8], $0x280  }
0xa2: {  	[sflag:s8] =	ssyncset.done @!p3 $0x0  }
0xa3: {  	[sflag:s8] =	ssyncadd.s32 @!p3 $0xFFFFFD80  }
0xa4: {  	_ =	swait.ge [sflag:s20], $0x1400  }
0xa5: {  	[sflag:s20] =	ssyncset.done $0x0  }
0xa6: {  	[sflag:s20] =	ssyncadd.s32 $0xFFFFEC00  }
0xa7: {  	_ =	swait.ge [sflag:s21], $0x1400  }
0xa8: {  	[sflag:s21] =	ssyncset.done $0x0  }
0xa9: {  	[sflag:s21] =	ssyncadd.s32 $0xFFFFEC00  }
0xaa: {  	_ =	swait.ge [sflag:s25], $0x1400  }
0xab: {  	[sflag:s25] =	ssyncset.done $0x0  }
0xac: {  	[sflag:s25] =	ssyncadd.s32 $0xFFFFEC00  }
0xad: {  	_ =	swait.ge [sflag:s26], $0x1400  }
0xae: {  	[sflag:s26] =	ssyncset.done $0x0  }
0xaf: {  	[sflag:s26] =	ssyncadd.s32 $0xFFFFEC00  }
0xb0: {  	_ =	swait.ge [sflag:s29], $0x280  }
0xb1: {  	[sflag:s29] =	ssyncset.done $0x0  }
0xb2: {  	[sflag:s29] =	ssyncadd.s32 $0xFFFFFD80  }
0xb3: {  	[bflag:$0x0] =	sbarrier.arrive $0xFFFF  }
0xb4: {  	s0 =	rddreg [dreg:$0x7]  }
0xb5: {  	s6 =	rddreg [dreg:$0xa]  }
0xb6: {  	[hbm:s0], [sflag:s31] =	dma.local @!p1 [spmem:s6], $0x9C40  }
0xb7: {  	s0 =	simm.s32 @!p1 $0xA  }
0xb8: {  	_ =	swait.ge @!p1 [sflag:s0], $0x9C40  }
0xb9: {  	[sflag:s0] =	ssyncset.done @!p1 $0x0;
	s6 =	rddreg [dreg:$0x8]  }
0xba: {  	s8 =	rddreg [dreg:$0xb];
	[sflag:s0] =	ssyncadd.s32 @!p1 $0xFFFF63C0  }
0xbb: {  	[hbm:s6], [sflag:s31] =	dma.local @!p1 [spmem:s8], $0x1388  }
0xbc: {  	_ =	swait.ge @!p1 [sflag:s0], $0x1388  }
0xbd: {  	s30 =	sadd.s32 $0x1, s30;
	s31 =	rddreg [dreg:$0x9]  }
0xbe: {  	p3 =	sne.s32 s30, s31  }
.Ltmp5:
0xbf: {  	_ = 	snop;
	(pc) =	sbr.rel @p3 .LBB2_1-.Ltmp5, $3  }
0xc0: {  	_ =	sdelay $0x1  }
0xc1: {  	[sflag:s0] =	ssyncset.done @!p1 $0x0  }
0xc2: {  	s12 =	simm.s32 $0x0;
	[sflag:s0] =	ssyncadd.s32 @!p1 $0xFFFFEC78  }
0xc3: {  	_ =	sfence.sel $0x180000  }
0xc4: {  	[bflag:$0x0] =	sbarrier.arrive $0xFFFF  }
0xc5: {  	_ =	strace $0x90000047  }
0xc6: {  	s0 =	stileid.u32;
	[bflag:$0x2] =	sbarrier.arrive $0xFFFF  }
0xc7: {  	p0 =	sne.s32 s0, $0x0;
	s0 =	rddreg [dreg:$0x4]  }
0xc8: {  	s0 =	sadd.s32 @!p0 $0x100000, s0  }
0xc9: {  	[sflag:s0] =	ssyncadd.tile.s32 @!p0 $0x1;
	_ =	shalt  }
.Lfunc_end2:
_tile_overlayer_lowered:
.L_overlay_start_2:
0xca: {  	(tag) =	ssettag $0x2  }
0xcb: {  	s0 =	rddreg [dreg:$0x0];
	s2 =	stileid.u32  }
0xcc: {  	s1 =	rddreg [dreg:$0x1];
	p0 =	sne.s32 s2, $0x0  }
0xcd: {  	s3 =	rddreg [dreg:$0x2];
	[bflag:$0x3] =	sbarrier.arrive $0xFFFF;
	s2 =	simm.s32 @!p0 $0x1C0A  }
0xce: {  	[timem:s3], [sflag:s2] =	dma.local @!p0 [hbm:s0], s1  }
0xcf: {  	s0 =	simm.s32 @!p0 $0xA  }
0xd0: {  	_ =	swait.ge @!p0 [sflag:s0], s1  }
0xd1: {  	s1 =	ssub.s32 @!p0 $0x0, s1;
	[sflag:s0] =	ssyncset.done @!p0 $0x0  }
0xd2: {  	[sflag:s0] =	ssyncadd.s32 @!p0 s1  }
0xd3: {  	[bflag:$0x3] =	sbarrier.arrive $0xFFFF  }
0xd4: {  	_ =	shalt  }

</sc_bundles>
